<compile_context>
chip_gen: v7x
topology: tpu7x:2x2x1
jax: 0.10.2.dev20260603
libtpu: 0.0.44.dev20260713+nightly
codegen_flags: <defaults>
</compile_context>

<pallas_src>
import functools

import jax
import jax.numpy as jnp
from jax import lax
from jax.experimental import pallas as pl
from jax.experimental.pallas import tpu as pltpu
from jax.experimental.pallas import tpu_sc as plsc

B, N = 1024, 50
E = B * N
NC, NS, L = 2, 16, 16
NW = NC * NS
EPW = E // NW
GROUPS = EPW // L
F = 7
DOUT = 28


def _body(info_hbm, mask_hbm, w_hbm, b_hbm, az_hbm, tz_hbm, out_hbm,
          info_v, mask_v, w_v, b_v, az_v, tz_v, out_v):
  wid = lax.axis_index("s") * NC + lax.axis_index("c")
  ebase = wid * EPW

  pltpu.sync_copy(info_hbm.at[pl.ds(ebase * F, EPW * F)], info_v)
  pltpu.sync_copy(mask_hbm.at[pl.ds(ebase, EPW)], mask_v)
  pltpu.sync_copy(w_hbm, w_v)
  pltpu.sync_copy(b_hbm, b_v)
  pltpu.sync_copy(az_hbm, az_v)
  pltpu.sync_copy(tz_hbm, tz_v)

  lane = lax.iota(jnp.int32, L)
  lane_f = lane * F
  lane_o = lane * DOUT

  wchunk = [w_v[pl.ds(16 * i, 16)] for i in range(5)]
  bchunk = b_v[pl.ds(0, 16)]
  ws = [wchunk[i // 16][i % 16] for i in range(80)]
  bs = [bchunk[j] for j in range(16)]

  def group(g, carry):
    e0 = g * L
    m = mask_v[pl.ds(e0, L)]
    fb = e0 * F
    f = [plsc.load_gather(info_v, [lane_f + (fb + k)]) * m for k in range(F)]

    feat = []
    for j in range(16):
      acc = f[0] * ws[5 * j]
      for k in range(1, 5):
        acc = acc + f[k] * ws[5 * j + k]
      feat.append(jnp.maximum(acc + bs[j], 0.0))

    z = f[5].astype(jnp.int32)
    t = f[6].astype(jnp.int32)
    valid = m >= 0.5
    cond = valid & (z >= 1) & (z <= 94)
    fm = jnp.where(valid, m, 0.0)
    cm = jnp.where(cond, m, 0.0)
    zi = jnp.clip(z, 0, 94) * 8
    ti = jnp.clip(t, 0, 5) * 4

    emb = [plsc.load_gather(az_v, [zi + d]) * cm for d in range(8)]
    emb += [plsc.load_gather(tz_v, [ti + d]) * cm for d in range(4)]

    ob = e0 * DOUT
    for ch in range(16):
      plsc.store_scatter(out_v, [lane_o + (ob + ch)], feat[ch] * fm)
    for d in range(12):
      plsc.store_scatter(out_v, [lane_o + (ob + 16 + d)], emb[d])
    return carry

  lax.fori_loop(0, GROUPS, group, 0)
  pltpu.sync_copy(out_v, out_hbm.at[pl.ds(ebase * DOUT, EPW * DOUT)])


_sc_call = functools.partial(
    pl.kernel,
    out_type=jax.ShapeDtypeStruct((E * DOUT,), jnp.float32),
    mesh=plsc.VectorSubcoreMesh(core_axis_name="c", subcore_axis_name="s"),
    compiler_params=pltpu.CompilerParams(needs_layout_passes=False),
    scratch_types=[
        pltpu.VMEM((EPW * F,), jnp.float32),
        pltpu.VMEM((EPW,), jnp.float32),
        pltpu.VMEM((80,), jnp.float32),
        pltpu.VMEM((16,), jnp.float32),
        pltpu.VMEM((760,), jnp.float32),
        pltpu.VMEM((24,), jnp.float32),
        pltpu.VMEM((EPW * DOUT,), jnp.float32),
    ],
)(_body)


@jax.jit
def kernel(elements_info, elements_mask, W, b, atom_embedding, type_embedding):
  info_f = elements_info.reshape(-1)
  mask_f = elements_mask.reshape(-1)
  w_f = W.reshape(-1)
  az_f = atom_embedding.reshape(-1)
  tz_f = type_embedding.reshape(-1)
  out = _sc_call(info_f, mask_f, w_f, b, az_f, tz_f)
  return out.reshape(B, N, DOUT)

# --- scband reference (transcript-rebuilt; emitter-appended) ---
"""Pipeline reference for scband-elements-feature-processor-24876450579089 (READ-ONLY COPY).

The authoritative reference and input builder live on the scoring server;
editing this copy changes nothing except your own understanding.
"""

import jax, jax.numpy as jnp
import numpy as np

B, N = 1024, 50

def setup_inputs(seed: int = 0) -> dict:
    key = jax.random.key(seed)
    k1, k2, k3, k4 = jax.random.split(key, 4)
    # elements_info: last dim = [5 float features, atomic_number, element_type]
    # randint fill in [0, 6) keeps atomic numbers in TM range subset (1..5 valid) and types in 0..5
    elements_info = jax.random.randint(k1, (B, N, 7), 0, 6).astype(jnp.float32)
    elements_mask = jnp.ones((B, N), dtype=jnp.float32)
    # learned params per __init__: Linear(5,16), Embedding(95,8), Embedding(6,4)
    W = jax.random.normal(k2, (16, 5), dtype=jnp.float32) * 0.1
    b = jnp.zeros((16,), dtype=jnp.float32)
    atom_embedding = jax.random.normal(k3, (95, 8), dtype=jnp.float32)
    type_embedding = jax.random.normal(k4, (6, 4), dtype=jnp.float32)
    return {"elements_info": elements_info, "elements_mask": elements_mask,
            "W": W, "b": b, "atom_embedding": atom_embedding, "type_embedding": type_embedding}

def reference(elements_info, elements_mask, W, b, atom_embedding, type_embedding):
    masked_info = elements_info * elements_mask[..., None]
    float_features = masked_info[..., :5]
    atomic_num = jax.lax.stop_gradient(masked_info[..., 5]).astype(jnp.int32)
    element_type = jax.lax.stop_gradient(masked_info[..., 6]).astype(jnp.int32)
    float_feat = jax.nn.relu(float_features @ W.T + b)
    valid = elements_mask >= 0.5
    in_range = (atomic_num >= 1) & (atomic_num <= 94)
    # gather embeddings (clip keeps indices legal; masked out below, matching torch's skip)
    emb_z = jnp.take(atom_embedding, jnp.clip(atomic_num, 0, 94), axis=0)
    emb_t = jnp.take(type_embedding, jnp.clip(element_type, 0, 5), axis=0)
    part_float = jnp.where(valid[..., None], float_feat, 0.0)
    cond = (valid & in_range)[..., None]
    part_z = jnp.where(cond, emb_z, 0.0)
    part_t = jnp.where(cond, emb_t, 0.0)
    out = jnp.concatenate([part_float, part_z, part_t], axis=-1)
    out = out * elements_mask[..., None]
    return out

if __name__ == "__main__":
    import jax
    _d = setup_inputs()
    print(jax.jit(kernel)(*tuple(_d.values())))

</pallas_src>

<mosaic_0001>
#map = affine_map<(d0, d1) -> (0)>
module attributes {stable_mosaic.version = 14 : i64} {
  func.func @_body(%arg0: i32, %arg1: i32, %arg2: memref<358400xf32, #tpu.memory_space<hbm>>, %arg3: memref<51200xf32, #tpu.memory_space<hbm>>, %arg4: memref<80xf32, #tpu.memory_space<hbm>>, %arg5: memref<16xf32, #tpu.memory_space<hbm>>, %arg6: memref<760xf32, #tpu.memory_space<hbm>>, %arg7: memref<24xf32, #tpu.memory_space<hbm>>, %arg8: memref<1433600xf32, #tpu.memory_space<hbm>>, %arg9: memref<11200xf32, #tpu.memory_space<vmem>>, %arg10: memref<1600xf32, #tpu.memory_space<vmem>>, %arg11: memref<80xf32, #tpu.memory_space<vmem>>, %arg12: memref<16xf32, #tpu.memory_space<vmem>>, %arg13: memref<760xf32, #tpu.memory_space<vmem>>, %arg14: memref<24xf32, #tpu.memory_space<vmem>>, %arg15: memref<44800xf32, #tpu.memory_space<vmem>>) attributes {dimension_semantics = [#tpu.dimension_semantics<core_parallel>, #tpu.dimension_semantics<subcore_parallel>], iteration_bounds = array<i64: 2, 16>, scalar_prefetch = 0 : i64, scratch_operands = 7 : i64, tpu.core_type = #tpu.core_type<sc_vector_subcore>, window_params = [{transform_indices = #map}, {transform_indices = #map}, {transform_indices = #map}, {transform_indices = #map}, {transform_indices = #map}, {transform_indices = #map}, {transform_indices = #map}]} {
    %mul3A = arith.constant 2 : i32
    %mul3A_0 = arith.muli %arg1, %mul3A : i32
    %add3A = arith.addi %mul3A_0, %arg0 : i32
    %mul3A_1 = arith.constant 1600 : i32
    %mul3A_2 = arith.muli %add3A, %mul3A_1 : i32
    %mul3A_3 = arith.constant 7 : i32
    %mul3A_4 = arith.muli %mul3A_2, %mul3A_3 : i32
    "tpu.region"() ({
      %run_scoped3A = tpu.sem_alloc : memref<!tpu.dma_semaphore, #tpu.memory_space<semaphore_mem>>
      %dma_start3A = tpu.memref_slice %arg2[%mul3A_4] : memref<358400xf32, #tpu.memory_space<hbm>> -> memref<11200xf32, #tpu.memory_space<hbm>>
      %dma_start3A_219 = tpu.memref_slice %arg2[%mul3A_4] : memref<358400xf32, #tpu.memory_space<hbm>> -> memref<11200xf32, #tpu.memory_space<hbm>>
      tpu.enqueue_dma source(%dma_start3A_219 : memref<11200xf32, #tpu.memory_space<hbm>>) target(%arg9 : memref<11200xf32, #tpu.memory_space<vmem>>) target_semaphore(%run_scoped3A : memref<!tpu.dma_semaphore, #tpu.memory_space<semaphore_mem>>)
      %dma_wait3A = tpu.memref_slice %arg2[%mul3A_4] : memref<358400xf32, #tpu.memory_space<hbm>> -> memref<11200xf32, #tpu.memory_space<hbm>>
      %dma_wait3A_220 = tpu.memref_slice %arg2[%mul3A_4] : memref<358400xf32, #tpu.memory_space<hbm>> -> memref<11200xf32, #tpu.memory_space<hbm>>
      tpu.wait_dma2 semaphore(%run_scoped3A : memref<!tpu.dma_semaphore, #tpu.memory_space<semaphore_mem>>) src(%dma_wait3A_220 : memref<11200xf32, #tpu.memory_space<hbm>>) dst(%arg9 : memref<11200xf32, #tpu.memory_space<vmem>>)
      tpu.yield
    }) : () -> ()
    "tpu.region"() ({
      %run_scoped3A = tpu.sem_alloc : memref<!tpu.dma_semaphore, #tpu.memory_space<semaphore_mem>>
      %dma_start3A = tpu.memref_slice %arg3[%mul3A_2] : memref<51200xf32, #tpu.memory_space<hbm>> -> memref<1600xf32, #tpu.memory_space<hbm>>
      %dma_start3A_219 = tpu.memref_slice %arg3[%mul3A_2] : memref<51200xf32, #tpu.memory_space<hbm>> -> memref<1600xf32, #tpu.memory_space<hbm>>
      tpu.enqueue_dma source(%dma_start3A_219 : memref<1600xf32, #tpu.memory_space<hbm>>) target(%arg10 : memref<1600xf32, #tpu.memory_space<vmem>>) target_semaphore(%run_scoped3A : memref<!tpu.dma_semaphore, #tpu.memory_space<semaphore_mem>>)
      %dma_wait3A = tpu.memref_slice %arg3[%mul3A_2] : memref<51200xf32, #tpu.memory_space<hbm>> -> memref<1600xf32, #tpu.memory_space<hbm>>
      %dma_wait3A_220 = tpu.memref_slice %arg3[%mul3A_2] : memref<51200xf32, #tpu.memory_space<hbm>> -> memref<1600xf32, #tpu.memory_space<hbm>>
      tpu.wait_dma2 semaphore(%run_scoped3A : memref<!tpu.dma_semaphore, #tpu.memory_space<semaphore_mem>>) src(%dma_wait3A_220 : memref<1600xf32, #tpu.memory_space<hbm>>) dst(%arg10 : memref<1600xf32, #tpu.memory_space<vmem>>)
      tpu.yield
    }) : () -> ()
    "tpu.region"() ({
      %run_scoped3A = tpu.sem_alloc : memref<!tpu.dma_semaphore, #tpu.memory_space<semaphore_mem>>
      tpu.enqueue_dma source(%arg4 : memref<80xf32, #tpu.memory_space<hbm>>) target(%arg11 : memref<80xf32, #tpu.memory_space<vmem>>) target_semaphore(%run_scoped3A : memref<!tpu.dma_semaphore, #tpu.memory_space<semaphore_mem>>)
      tpu.wait_dma2 semaphore(%run_scoped3A : memref<!tpu.dma_semaphore, #tpu.memory_space<semaphore_mem>>) src(%arg4 : memref<80xf32, #tpu.memory_space<hbm>>) dst(%arg11 : memref<80xf32, #tpu.memory_space<vmem>>)
      tpu.yield
    }) : () -> ()
    "tpu.region"() ({
      %run_scoped3A = tpu.sem_alloc : memref<!tpu.dma_semaphore, #tpu.memory_space<semaphore_mem>>
      tpu.enqueue_dma source(%arg5 : memref<16xf32, #tpu.memory_space<hbm>>) target(%arg12 : memref<16xf32, #tpu.memory_space<vmem>>) target_semaphore(%run_scoped3A : memref<!tpu.dma_semaphore, #tpu.memory_space<semaphore_mem>>)
      tpu.wait_dma2 semaphore(%run_scoped3A : memref<!tpu.dma_semaphore, #tpu.memory_space<semaphore_mem>>) src(%arg5 : memref<16xf32, #tpu.memory_space<hbm>>) dst(%arg12 : memref<16xf32, #tpu.memory_space<vmem>>)
      tpu.yield
    }) : () -> ()
    "tpu.region"() ({
      %run_scoped3A = tpu.sem_alloc : memref<!tpu.dma_semaphore, #tpu.memory_space<semaphore_mem>>
      tpu.enqueue_dma source(%arg6 : memref<760xf32, #tpu.memory_space<hbm>>) target(%arg13 : memref<760xf32, #tpu.memory_space<vmem>>) target_semaphore(%run_scoped3A : memref<!tpu.dma_semaphore, #tpu.memory_space<semaphore_mem>>)
      tpu.wait_dma2 semaphore(%run_scoped3A : memref<!tpu.dma_semaphore, #tpu.memory_space<semaphore_mem>>) src(%arg6 : memref<760xf32, #tpu.memory_space<hbm>>) dst(%arg13 : memref<760xf32, #tpu.memory_space<vmem>>)
      tpu.yield
    }) : () -> ()
    "tpu.region"() ({
      %run_scoped3A = tpu.sem_alloc : memref<!tpu.dma_semaphore, #tpu.memory_space<semaphore_mem>>
      tpu.enqueue_dma source(%arg7 : memref<24xf32, #tpu.memory_space<hbm>>) target(%arg14 : memref<24xf32, #tpu.memory_space<vmem>>) target_semaphore(%run_scoped3A : memref<!tpu.dma_semaphore, #tpu.memory_space<semaphore_mem>>)
      tpu.wait_dma2 semaphore(%run_scoped3A : memref<!tpu.dma_semaphore, #tpu.memory_space<semaphore_mem>>) src(%arg7 : memref<24xf32, #tpu.memory_space<hbm>>) dst(%arg14 : memref<24xf32, #tpu.memory_space<vmem>>)
      tpu.yield
    }) : () -> ()
    %iota3A = tpu.iota {dimensions = array<i32: 0>} : vector<16xi32>
    %mul3A_5 = arith.constant 7 : i32
    %mul3A_6 = vector.broadcast %mul3A_5 : i32 to vector<16xi32>
    %mul3A_7 = arith.muli %iota3A, %mul3A_6 : vector<16xi32>
    %mul3A_8 = arith.constant 28 : i32
    %mul3A_9 = vector.broadcast %mul3A_8 : i32 to vector<16xi32>
    %mul3A_10 = arith.muli %iota3A, %mul3A_9 : vector<16xi32>
    %get3A = arith.constant 0 : index
    %get3A_11 = tpu.vector_load %arg11[%get3A] {strides = array<i32>} : memref<80xf32, #tpu.memory_space<vmem>>, vector<16xf32>,
    %get3A_12 = arith.constant 16 : index
    %get3A_13 = tpu.vector_load %arg11[%get3A_12] {strides = array<i32>} : memref<80xf32, #tpu.memory_space<vmem>>, vector<16xf32>,
    %get3A_14 = arith.constant 32 : index
    %get3A_15 = tpu.vector_load %arg11[%get3A_14] {strides = array<i32>} : memref<80xf32, #tpu.memory_space<vmem>>, vector<16xf32>,
    %get3A_16 = arith.constant 48 : index
    %get3A_17 = tpu.vector_load %arg11[%get3A_16] {strides = array<i32>} : memref<80xf32, #tpu.memory_space<vmem>>, vector<16xf32>,
    %get3A_18 = arith.constant 64 : index
    %get3A_19 = tpu.vector_load %arg11[%get3A_18] {strides = array<i32>} : memref<80xf32, #tpu.memory_space<vmem>>, vector<16xf32>,
    %get3A_20 = arith.constant 0 : index
    %get3A_21 = tpu.vector_load %arg12[%get3A_20] {strides = array<i32>} : memref<16xf32, #tpu.memory_space<vmem>>, vector<16xf32>,
    %slice3A = vector.extract_strided_slice %get3A_11 {offsets = [0], sizes = [1], strides = [1]} : vector<16xf32> to vector<1xf32>
    %squeeze3A = vector.extract %slice3A[0] : f32 from vector<1xf32>
    %slice3A_22 = vector.extract_strided_slice %get3A_11 {offsets = [1], sizes = [1], strides = [1]} : vector<16xf32> to vector<1xf32>
    %squeeze3A_23 = vector.extract %slice3A_22[0] : f32 from vector<1xf32>
    %slice3A_24 = vector.extract_strided_slice %get3A_11 {offsets = [2], sizes = [1], strides = [1]} : vector<16xf32> to vector<1xf32>
    %squeeze3A_25 = vector.extract %slice3A_24[0] : f32 from vector<1xf32>
    %slice3A_26 = vector.extract_strided_slice %get3A_11 {offsets = [3], sizes = [1], strides = [1]} : vector<16xf32> to vector<1xf32>
    %squeeze3A_27 = vector.extract %slice3A_26[0] : f32 from vector<1xf32>
    %slice3A_28 = vector.extract_strided_slice %get3A_11 {offsets = [4], sizes = [1], strides = [1]} : vector<16xf32> to vector<1xf32>
    %squeeze3A_29 = vector.extract %slice3A_28[0] : f32 from vector<1xf32>
    %slice3A_30 = vector.extract_strided_slice %get3A_11 {offsets = [5], sizes = [1], strides = [1]} : vector<16xf32> to vector<1xf32>
    %squeeze3A_31 = vector.extract %slice3A_30[0] : f32 from vector<1xf32>
    %slice3A_32 = vector.extract_strided_slice %get3A_11 {offsets = [6], sizes = [1], strides = [1]} : vector<16xf32> to vector<1xf32>
    %squeeze3A_33 = vector.extract %slice3A_32[0] : f32 from vector<1xf32>
    %slice3A_34 = vector.extract_strided_slice %get3A_11 {offsets = [7], sizes = [1], strides = [1]} : vector<16xf32> to vector<1xf32>
    %squeeze3A_35 = vector.extract %slice3A_34[0] : f32 from vector<1xf32>
    %slice3A_36 = vector.extract_strided_slice %get3A_11 {offsets = [8], sizes = [1], strides = [1]} : vector<16xf32> to vector<1xf32>
    %squeeze3A_37 = vector.extract %slice3A_36[0] : f32 from vector<1xf32>
    %slice3A_38 = vector.extract_strided_slice %get3A_11 {offsets = [9], sizes = [1], strides = [1]} : vector<16xf32> to vector<1xf32>
    %squeeze3A_39 = vector.extract %slice3A_38[0] : f32 from vector<1xf32>
    %slice3A_40 = vector.extract_strided_slice %get3A_11 {offsets = [10], sizes = [1], strides = [1]} : vector<16xf32> to vector<1xf32>
    %squeeze3A_41 = vector.extract %slice3A_40[0] : f32 from vector<1xf32>
    %slice3A_42 = vector.extract_strided_slice %get3A_11 {offsets = [11], sizes = [1], strides = [1]} : vector<16xf32> to vector<1xf32>
    %squeeze3A_43 = vector.extract %slice3A_42[0] : f32 from vector<1xf32>
    %slice3A_44 = vector.extract_strided_slice %get3A_11 {offsets = [12], sizes = [1], strides = [1]} : vector<16xf32> to vector<1xf32>
    %squeeze3A_45 = vector.extract %slice3A_44[0] : f32 from vector<1xf32>
    %slice3A_46 = vector.extract_strided_slice %get3A_11 {offsets = [13], sizes = [1], strides = [1]} : vector<16xf32> to vector<1xf32>
    %squeeze3A_47 = vector.extract %slice3A_46[0] : f32 from vector<1xf32>
    %slice3A_48 = vector.extract_strided_slice %get3A_11 {offsets = [14], sizes = [1], strides = [1]} : vector<16xf32> to vector<1xf32>
    %squeeze3A_49 = vector.extract %slice3A_48[0] : f32 from vector<1xf32>
    %slice3A_50 = vector.extract_strided_slice %get3A_11 {offsets = [15], sizes = [1], strides = [1]} : vector<16xf32> to vector<1xf32>
    %squeeze3A_51 = vector.extract %slice3A_50[0] : f32 from vector<1xf32>
    %slice3A_52 = vector.extract_strided_slice %get3A_13 {offsets = [0], sizes = [1], strides = [1]} : vector<16xf32> to vector<1xf32>
    %squeeze3A_53 = vector.extract %slice3A_52[0] : f32 from vector<1xf32>
    %slice3A_54 = vector.extract_strided_slice %get3A_13 {offsets = [1], sizes = [1], strides = [1]} : vector<16xf32> to vector<1xf32>
    %squeeze3A_55 = vector.extract %slice3A_54[0] : f32 from vector<1xf32>
    %slice3A_56 = vector.extract_strided_slice %get3A_13 {offsets = [2], sizes = [1], strides = [1]} : vector<16xf32> to vector<1xf32>
    %squeeze3A_57 = vector.extract %slice3A_56[0] : f32 from vector<1xf32>
    %slice3A_58 = vector.extract_strided_slice %get3A_13 {offsets = [3], sizes = [1], strides = [1]} : vector<16xf32> to vector<1xf32>
    %squeeze3A_59 = vector.extract %slice3A_58[0] : f32 from vector<1xf32>
    %slice3A_60 = vector.extract_strided_slice %get3A_13 {offsets = [4], sizes = [1], strides = [1]} : vector<16xf32> to vector<1xf32>
    %squeeze3A_61 = vector.extract %slice3A_60[0] : f32 from vector<1xf32>
    %slice3A_62 = vector.extract_strided_slice %get3A_13 {offsets = [5], sizes = [1], strides = [1]} : vector<16xf32> to vector<1xf32>
    %squeeze3A_63 = vector.extract %slice3A_62[0] : f32 from vector<1xf32>
    %slice3A_64 = vector.extract_strided_slice %get3A_13 {offsets = [6], sizes = [1], strides = [1]} : vector<16xf32> to vector<1xf32>
    %squeeze3A_65 = vector.extract %slice3A_64[0] : f32 from vector<1xf32>
    %slice3A_66 = vector.extract_strided_slice %get3A_13 {offsets = [7], sizes = [1], strides = [1]} : vector<16xf32> to vector<1xf32>
    %squeeze3A_67 = vector.extract %slice3A_66[0] : f32 from vector<1xf32>
    %slice3A_68 = vector.extract_strided_slice %get3A_13 {offsets = [8], sizes = [1], strides = [1]} : vector<16xf32> to vector<1xf32>
    %squeeze3A_69 = vector.extract %slice3A_68[0] : f32 from vector<1xf32>
    %slice3A_70 = vector.extract_strided_slice %get3A_13 {offsets = [9], sizes = [1], strides = [1]} : vector<16xf32> to vector<1xf32>
    %squeeze3A_71 = vector.extract %slice3A_70[0] : f32 from vector<1xf32>
    %slice3A_72 = vector.extract_strided_slice %get3A_13 {offsets = [10], sizes = [1], strides = [1]} : vector<16xf32> to vector<1xf32>
    %squeeze3A_73 = vector.extract %slice3A_72[0] : f32 from vector<1xf32>
    %slice3A_74 = vector.extract_strided_slice %get3A_13 {offsets = [11], sizes = [1], strides = [1]} : vector<16xf32> to vector<1xf32>
    %squeeze3A_75 = vector.extract %slice3A_74[0] : f32 from vector<1xf32>
    %slice3A_76 = vector.extract_strided_slice %get3A_13 {offsets = [12], sizes = [1], strides = [1]} : vector<16xf32> to vector<1xf32>
    %squeeze3A_77 = vector.extract %slice3A_76[0] : f32 from vector<1xf32>
    %slice3A_78 = vector.extract_strided_slice %get3A_13 {offsets = [13], sizes = [1], strides = [1]} : vector<16xf32> to vector<1xf32>
    %squeeze3A_79 = vector.extract %slice3A_78[0] : f32 from vector<1xf32>
    %slice3A_80 = vector.extract_strided_slice %get3A_13 {offsets = [14], sizes = [1], strides = [1]} : vector<16xf32> to vector<1xf32>
    %squeeze3A_81 = vector.extract %slice3A_80[0] : f32 from vector<1xf32>
    %slice3A_82 = vector.extract_strided_slice %get3A_13 {offsets = [15], sizes = [1], strides = [1]} : vector<16xf32> to vector<1xf32>
    %squeeze3A_83 = vector.extract %slice3A_82[0] : f32 from vector<1xf32>
    %slice3A_84 = vector.extract_strided_slice %get3A_15 {offsets = [0], sizes = [1], strides = [1]} : vector<16xf32> to vector<1xf32>
    %squeeze3A_85 = vector.extract %slice3A_84[0] : f32 from vector<1xf32>
    %slice3A_86 = vector.extract_strided_slice %get3A_15 {offsets = [1], sizes = [1], strides = [1]} : vector<16xf32> to vector<1xf32>
    %squeeze3A_87 = vector.extract %slice3A_86[0] : f32 from vector<1xf32>
    %slice3A_88 = vector.extract_strided_slice %get3A_15 {offsets = [2], sizes = [1], strides = [1]} : vector<16xf32> to vector<1xf32>
    %squeeze3A_89 = vector.extract %slice3A_88[0] : f32 from vector<1xf32>
    %slice3A_90 = vector.extract_strided_slice %get3A_15 {offsets = [3], sizes = [1], strides = [1]} : vector<16xf32> to vector<1xf32>
    %squeeze3A_91 = vector.extract %slice3A_90[0] : f32 from vector<1xf32>
    %slice3A_92 = vector.extract_strided_slice %get3A_15 {offsets = [4], sizes = [1], strides = [1]} : vector<16xf32> to vector<1xf32>
    %squeeze3A_93 = vector.extract %slice3A_92[0] : f32 from vector<1xf32>
    %slice3A_94 = vector.extract_strided_slice %get3A_15 {offsets = [5], sizes = [1], strides = [1]} : vector<16xf32> to vector<1xf32>
    %squeeze3A_95 = vector.extract %slice3A_94[0] : f32 from vector<1xf32>
    %slice3A_96 = vector.extract_strided_slice %get3A_15 {offsets = [6], sizes = [1], strides = [1]} : vector<16xf32> to vector<1xf32>
    %squeeze3A_97 = vector.extract %slice3A_96[0] : f32 from vector<1xf32>
    %slice3A_98 = vector.extract_strided_slice %get3A_15 {offsets = [7], sizes = [1], strides = [1]} : vector<16xf32> to vector<1xf32>
    %squeeze3A_99 = vector.extract %slice3A_98[0] : f32 from vector<1xf32>
    %slice3A_100 = vector.extract_strided_slice %get3A_15 {offsets = [8], sizes = [1], strides = [1]} : vector<16xf32> to vector<1xf32>
    %squeeze3A_101 = vector.extract %slice3A_100[0] : f32 from vector<1xf32>
    %slice3A_102 = vector.extract_strided_slice %get3A_15 {offsets = [9], sizes = [1], strides = [1]} : vector<16xf32> to vector<1xf32>
    %squeeze3A_103 = vector.extract %slice3A_102[0] : f32 from vector<1xf32>
    %slice3A_104 = vector.extract_strided_slice %get3A_15 {offsets = [10], sizes = [1], strides = [1]} : vector<16xf32> to vector<1xf32>
    %squeeze3A_105 = vector.extract %slice3A_104[0] : f32 from vector<1xf32>
    %slice3A_106 = vector.extract_strided_slice %get3A_15 {offsets = [11], sizes = [1], strides = [1]} : vector<16xf32> to vector<1xf32>
    %squeeze3A_107 = vector.extract %slice3A_106[0] : f32 from vector<1xf32>
    %slice3A_108 = vector.extract_strided_slice %get3A_15 {offsets = [12], sizes = [1], strides = [1]} : vector<16xf32> to vector<1xf32>
    %squeeze3A_109 = vector.extract %slice3A_108[0] : f32 from vector<1xf32>
    %slice3A_110 = vector.extract_strided_slice %get3A_15 {offsets = [13], sizes = [1], strides = [1]} : vector<16xf32> to vector<1xf32>
    %squeeze3A_111 = vector.extract %slice3A_110[0] : f32 from vector<1xf32>
    %slice3A_112 = vector.extract_strided_slice %get3A_15 {offsets = [14], sizes = [1], strides = [1]} : vector<16xf32> to vector<1xf32>
    %squeeze3A_113 = vector.extract %slice3A_112[0] : f32 from vector<1xf32>
    %slice3A_114 = vector.extract_strided_slice %get3A_15 {offsets = [15], sizes = [1], strides = [1]} : vector<16xf32> to vector<1xf32>
    %squeeze3A_115 = vector.extract %slice3A_114[0] : f32 from vector<1xf32>
    %slice3A_116 = vector.extract_strided_slice %get3A_17 {offsets = [0], sizes = [1], strides = [1]} : vector<16xf32> to vector<1xf32>
    %squeeze3A_117 = vector.extract %slice3A_116[0] : f32 from vector<1xf32>
    %slice3A_118 = vector.extract_strided_slice %get3A_17 {offsets = [1], sizes = [1], strides = [1]} : vector<16xf32> to vector<1xf32>
    %squeeze3A_119 = vector.extract %slice3A_118[0] : f32 from vector<1xf32>
    %slice3A_120 = vector.extract_strided_slice %get3A_17 {offsets = [2], sizes = [1], strides = [1]} : vector<16xf32> to vector<1xf32>
    %squeeze3A_121 = vector.extract %slice3A_120[0] : f32 from vector<1xf32>
    %slice3A_122 = vector.extract_strided_slice %get3A_17 {offsets = [3], sizes = [1], strides = [1]} : vector<16xf32> to vector<1xf32>
    %squeeze3A_123 = vector.extract %slice3A_122[0] : f32 from vector<1xf32>
    %slice3A_124 = vector.extract_strided_slice %get3A_17 {offsets = [4], sizes = [1], strides = [1]} : vector<16xf32> to vector<1xf32>
    %squeeze3A_125 = vector.extract %slice3A_124[0] : f32 from vector<1xf32>
    %slice3A_126 = vector.extract_strided_slice %get3A_17 {offsets = [5], sizes = [1], strides = [1]} : vector<16xf32> to vector<1xf32>
    %squeeze3A_127 = vector.extract %slice3A_126[0] : f32 from vector<1xf32>
    %slice3A_128 = vector.extract_strided_slice %get3A_17 {offsets = [6], sizes = [1], strides = [1]} : vector<16xf32> to vector<1xf32>
    %squeeze3A_129 = vector.extract %slice3A_128[0] : f32 from vector<1xf32>
    %slice3A_130 = vector.extract_strided_slice %get3A_17 {offsets = [7], sizes = [1], strides = [1]} : vector<16xf32> to vector<1xf32>
    %squeeze3A_131 = vector.extract %slice3A_130[0] : f32 from vector<1xf32>
    %slice3A_132 = vector.extract_strided_slice %get3A_17 {offsets = [8], sizes = [1], strides = [1]} : vector<16xf32> to vector<1xf32>
    %squeeze3A_133 = vector.extract %slice3A_132[0] : f32 from vector<1xf32>
    %slice3A_134 = vector.extract_strided_slice %get3A_17 {offsets = [9], sizes = [1], strides = [1]} : vector<16xf32> to vector<1xf32>
    %squeeze3A_135 = vector.extract %slice3A_134[0] : f32 from vector<1xf32>
    %slice3A_136 = vector.extract_strided_slice %get3A_17 {offsets = [10], sizes = [1], strides = [1]} : vector<16xf32> to vector<1xf32>
    %squeeze3A_137 = vector.extract %slice3A_136[0] : f32 from vector<1xf32>
    %slice3A_138 = vector.extract_strided_slice %get3A_17 {offsets = [11], sizes = [1], strides = [1]} : vector<16xf32> to vector<1xf32>
    %squeeze3A_139 = vector.extract %slice3A_138[0] : f32 from vector<1xf32>
    %slice3A_140 = vector.extract_strided_slice %get3A_17 {offsets = [12], sizes = [1], strides = [1]} : vector<16xf32> to vector<1xf32>
    %squeeze3A_141 = vector.extract %slice3A_140[0] : f32 from vector<1xf32>
    %slice3A_142 = vector.extract_strided_slice %get3A_17 {offsets = [13], sizes = [1], strides = [1]} : vector<16xf32> to vector<1xf32>
    %squeeze3A_143 = vector.extract %slice3A_142[0] : f32 from vector<1xf32>
    %slice3A_144 = vector.extract_strided_slice %get3A_17 {offsets = [14], sizes = [1], strides = [1]} : vector<16xf32> to vector<1xf32>
    %squeeze3A_145 = vector.extract %slice3A_144[0] : f32 from vector<1xf32>
    %slice3A_146 = vector.extract_strided_slice %get3A_17 {offsets = [15], sizes = [1], strides = [1]} : vector<16xf32> to vector<1xf32>
    %squeeze3A_147 = vector.extract %slice3A_146[0] : f32 from vector<1xf32>
    %slice3A_148 = vector.extract_strided_slice %get3A_19 {offsets = [0], sizes = [1], strides = [1]} : vector<16xf32> to vector<1xf32>
    %squeeze3A_149 = vector.extract %slice3A_148[0] : f32 from vector<1xf32>
    %slice3A_150 = vector.extract_strided_slice %get3A_19 {offsets = [1], sizes = [1], strides = [1]} : vector<16xf32> to vector<1xf32>
    %squeeze3A_151 = vector.extract %slice3A_150[0] : f32 from vector<1xf32>
    %slice3A_152 = vector.extract_strided_slice %get3A_19 {offsets = [2], sizes = [1], strides = [1]} : vector<16xf32> to vector<1xf32>
    %squeeze3A_153 = vector.extract %slice3A_152[0] : f32 from vector<1xf32>
    %slice3A_154 = vector.extract_strided_slice %get3A_19 {offsets = [3], sizes = [1], strides = [1]} : vector<16xf32> to vector<1xf32>
    %squeeze3A_155 = vector.extract %slice3A_154[0] : f32 from vector<1xf32>
    %slice3A_156 = vector.extract_strided_slice %get3A_19 {offsets = [4], sizes = [1], strides = [1]} : vector<16xf32> to vector<1xf32>
    %squeeze3A_157 = vector.extract %slice3A_156[0] : f32 from vector<1xf32>
    %slice3A_158 = vector.extract_strided_slice %get3A_19 {offsets = [5], sizes = [1], strides = [1]} : vector<16xf32> to vector<1xf32>
    %squeeze3A_159 = vector.extract %slice3A_158[0] : f32 from vector<1xf32>
    %slice3A_160 = vector.extract_strided_slice %get3A_19 {offsets = [6], sizes = [1], strides = [1]} : vector<16xf32> to vector<1xf32>
    %squeeze3A_161 = vector.extract %slice3A_160[0] : f32 from vector<1xf32>
    %slice3A_162 = vector.extract_strided_slice %get3A_19 {offsets = [7], sizes = [1], strides = [1]} : vector<16xf32> to vector<1xf32>
    %squeeze3A_163 = vector.extract %slice3A_162[0] : f32 from vector<1xf32>
    %slice3A_164 = vector.extract_strided_slice %get3A_19 {offsets = [8], sizes = [1], strides = [1]} : vector<16xf32> to vector<1xf32>
    %squeeze3A_165 = vector.extract %slice3A_164[0] : f32 from vector<1xf32>
    %slice3A_166 = vector.extract_strided_slice %get3A_19 {offsets = [9], sizes = [1], strides = [1]} : vector<16xf32> to vector<1xf32>
    %squeeze3A_167 = vector.extract %slice3A_166[0] : f32 from vector<1xf32>
    %slice3A_168 = vector.extract_strided_slice %get3A_19 {offsets = [10], sizes = [1], strides = [1]} : vector<16xf32> to vector<1xf32>
    %squeeze3A_169 = vector.extract %slice3A_168[0] : f32 from vector<1xf32>
    %slice3A_170 = vector.extract_strided_slice %get3A_19 {offsets = [11], sizes = [1], strides = [1]} : vector<16xf32> to vector<1xf32>
    %squeeze3A_171 = vector.extract %slice3A_170[0] : f32 from vector<1xf32>
    %slice3A_172 = vector.extract_strided_slice %get3A_19 {offsets = [12], sizes = [1], strides = [1]} : vector<16xf32> to vector<1xf32>
    %squeeze3A_173 = vector.extract %slice3A_172[0] : f32 from vector<1xf32>
    %slice3A_174 = vector.extract_strided_slice %get3A_19 {offsets = [13], sizes = [1], strides = [1]} : vector<16xf32> to vector<1xf32>
    %squeeze3A_175 = vector.extract %slice3A_174[0] : f32 from vector<1xf32>
    %slice3A_176 = vector.extract_strided_slice %get3A_19 {offsets = [14], sizes = [1], strides = [1]} : vector<16xf32> to vector<1xf32>
    %squeeze3A_177 = vector.extract %slice3A_176[0] : f32 from vector<1xf32>
    %slice3A_178 = vector.extract_strided_slice %get3A_19 {offsets = [15], sizes = [1], strides = [1]} : vector<16xf32> to vector<1xf32>
    %squeeze3A_179 = vector.extract %slice3A_178[0] : f32 from vector<1xf32>
    %slice3A_180 = vector.extract_strided_slice %get3A_21 {offsets = [0], sizes = [1], strides = [1]} : vector<16xf32> to vector<1xf32>
    %squeeze3A_181 = vector.extract %slice3A_180[0] : f32 from vector<1xf32>
    %slice3A_182 = vector.extract_strided_slice %get3A_21 {offsets = [1], sizes = [1], strides = [1]} : vector<16xf32> to vector<1xf32>
    %squeeze3A_183 = vector.extract %slice3A_182[0] : f32 from vector<1xf32>
    %slice3A_184 = vector.extract_strided_slice %get3A_21 {offsets = [2], sizes = [1], strides = [1]} : vector<16xf32> to vector<1xf32>
    %squeeze3A_185 = vector.extract %slice3A_184[0] : f32 from vector<1xf32>
    %slice3A_186 = vector.extract_strided_slice %get3A_21 {offsets = [3], sizes = [1], strides = [1]} : vector<16xf32> to vector<1xf32>
    %squeeze3A_187 = vector.extract %slice3A_186[0] : f32 from vector<1xf32>
    %slice3A_188 = vector.extract_strided_slice %get3A_21 {offsets = [4], sizes = [1], strides = [1]} : vector<16xf32> to vector<1xf32>
    %squeeze3A_189 = vector.extract %slice3A_188[0] : f32 from vector<1xf32>
    %slice3A_190 = vector.extract_strided_slice %get3A_21 {offsets = [5], sizes = [1], strides = [1]} : vector<16xf32> to vector<1xf32>
    %squeeze3A_191 = vector.extract %slice3A_190[0] : f32 from vector<1xf32>
    %slice3A_192 = vector.extract_strided_slice %get3A_21 {offsets = [6], sizes = [1], strides = [1]} : vector<16xf32> to vector<1xf32>
    %squeeze3A_193 = vector.extract %slice3A_192[0] : f32 from vector<1xf32>
    %slice3A_194 = vector.extract_strided_slice %get3A_21 {offsets = [7], sizes = [1], strides = [1]} : vector<16xf32> to vector<1xf32>
    %squeeze3A_195 = vector.extract %slice3A_194[0] : f32 from vector<1xf32>
    %slice3A_196 = vector.extract_strided_slice %get3A_21 {offsets = [8], sizes = [1], strides = [1]} : vector<16xf32> to vector<1xf32>
    %squeeze3A_197 = vector.extract %slice3A_196[0] : f32 from vector<1xf32>
    %slice3A_198 = vector.extract_strided_slice %get3A_21 {offsets = [9], sizes = [1], strides = [1]} : vector<16xf32> to vector<1xf32>
    %squeeze3A_199 = vector.extract %slice3A_198[0] : f32 from vector<1xf32>
    %slice3A_200 = vector.extract_strided_slice %get3A_21 {offsets = [10], sizes = [1], strides = [1]} : vector<16xf32> to vector<1xf32>
    %squeeze3A_201 = vector.extract %slice3A_200[0] : f32 from vector<1xf32>
    %slice3A_202 = vector.extract_strided_slice %get3A_21 {offsets = [11], sizes = [1], strides = [1]} : vector<16xf32> to vector<1xf32>
    %squeeze3A_203 = vector.extract %slice3A_202[0] : f32 from vector<1xf32>
    %slice3A_204 = vector.extract_strided_slice %get3A_21 {offsets = [12], sizes = [1], strides = [1]} : vector<16xf32> to vector<1xf32>
    %squeeze3A_205 = vector.extract %slice3A_204[0] : f32 from vector<1xf32>
    %slice3A_206 = vector.extract_strided_slice %get3A_21 {offsets = [13], sizes = [1], strides = [1]} : vector<16xf32> to vector<1xf32>
    %squeeze3A_207 = vector.extract %slice3A_206[0] : f32 from vector<1xf32>
    %slice3A_208 = vector.extract_strided_slice %get3A_21 {offsets = [14], sizes = [1], strides = [1]} : vector<16xf32> to vector<1xf32>
    %squeeze3A_209 = vector.extract %slice3A_208[0] : f32 from vector<1xf32>
    %slice3A_210 = vector.extract_strided_slice %get3A_21 {offsets = [15], sizes = [1], strides = [1]} : vector<16xf32> to vector<1xf32>
    %squeeze3A_211 = vector.extract %slice3A_210[0] : f32 from vector<1xf32>
    %scan3A = arith.constant 0 : i32
    %scan3A_212 = arith.constant 0 : i32
    %scan3A_213 = arith.constant 100 : i32
    %scan3A_214 = arith.addi %scan3A_212, %scan3A_213 : i32
    %scan3A_215 = arith.constant 1 : i32
    scf.for %scan3A_219 = %scan3A_212 to %scan3A_214 step %scan3A_215  : i32 {
      %mul3A_220 = arith.constant 16 : i32
      %mul3A_221 = arith.muli %scan3A_219, %mul3A_220 : i32
      %get3A_222 = arith.index_cast %mul3A_221 : i32 to index
      %get3A_223 = tpu.vector_load %arg10[%get3A_222] {strides = array<i32>} : memref<1600xf32, #tpu.memory_space<vmem>>, vector<16xf32>,
      %mul3A_224 = arith.constant 7 : i32
      %mul3A_225 = arith.muli %mul3A_221, %mul3A_224 : i32
      %add3A_226 = arith.constant 0 : i32
      %add3A_227 = arith.addi %mul3A_225, %add3A_226 : i32
      %add3A_228 = vector.broadcast %add3A_227 : i32 to vector<16xi32>
      %add3A_229 = arith.addi %mul3A_7, %add3A_228 : vector<16xi32>
      %gather3A = tpu.vector_load_idx %arg9[%add3A_229] : memref<11200xf32, #tpu.memory_space<vmem>>[vector<16xi32>], vector<16xf32>,
      %mul3A_230 = arith.mulf %gather3A, %get3A_223 : vector<16xf32>
      %add3A_231 = arith.constant 1 : i32
      %add3A_232 = arith.addi %mul3A_225, %add3A_231 : i32
      %add3A_233 = vector.broadcast %add3A_232 : i32 to vector<16xi32>
      %add3A_234 = arith.addi %mul3A_7, %add3A_233 : vector<16xi32>
      %gather3A_235 = tpu.vector_load_idx %arg9[%add3A_234] : memref<11200xf32, #tpu.memory_space<vmem>>[vector<16xi32>], vector<16xf32>,
      %mul3A_236 = arith.mulf %gather3A_235, %get3A_223 : vector<16xf32>
      %add3A_237 = arith.constant 2 : i32
      %add3A_238 = arith.addi %mul3A_225, %add3A_237 : i32
      %add3A_239 = vector.broadcast %add3A_238 : i32 to vector<16xi32>
      %add3A_240 = arith.addi %mul3A_7, %add3A_239 : vector<16xi32>
      %gather3A_241 = tpu.vector_load_idx %arg9[%add3A_240] : memref<11200xf32, #tpu.memory_space<vmem>>[vector<16xi32>], vector<16xf32>,
      %mul3A_242 = arith.mulf %gather3A_241, %get3A_223 : vector<16xf32>
      %add3A_243 = arith.constant 3 : i32
      %add3A_244 = arith.addi %mul3A_225, %add3A_243 : i32
      %add3A_245 = vector.broadcast %add3A_244 : i32 to vector<16xi32>
      %add3A_246 = arith.addi %mul3A_7, %add3A_245 : vector<16xi32>
      %gather3A_247 = tpu.vector_load_idx %arg9[%add3A_246] : memref<11200xf32, #tpu.memory_space<vmem>>[vector<16xi32>], vector<16xf32>,
      %mul3A_248 = arith.mulf %gather3A_247, %get3A_223 : vector<16xf32>
      %add3A_249 = arith.constant 4 : i32
      %add3A_250 = arith.addi %mul3A_225, %add3A_249 : i32
      %add3A_251 = vector.broadcast %add3A_250 : i32 to vector<16xi32>
      %add3A_252 = arith.addi %mul3A_7, %add3A_251 : vector<16xi32>
      %gather3A_253 = tpu.vector_load_idx %arg9[%add3A_252] : memref<11200xf32, #tpu.memory_space<vmem>>[vector<16xi32>], vector<16xf32>,
      %mul3A_254 = arith.mulf %gather3A_253, %get3A_223 : vector<16xf32>
      %add3A_255 = arith.constant 5 : i32
      %add3A_256 = arith.addi %mul3A_225, %add3A_255 : i32
      %add3A_257 = vector.broadcast %add3A_256 : i32 to vector<16xi32>
      %add3A_258 = arith.addi %mul3A_7, %add3A_257 : vector<16xi32>
      %gather3A_259 = tpu.vector_load_idx %arg9[%add3A_258] : memref<11200xf32, #tpu.memory_space<vmem>>[vector<16xi32>], vector<16xf32>,
      %mul3A_260 = arith.mulf %gather3A_259, %get3A_223 : vector<16xf32>
      %add3A_261 = arith.constant 6 : i32
      %add3A_262 = arith.addi %mul3A_225, %add3A_261 : i32
      %add3A_263 = vector.broadcast %add3A_262 : i32 to vector<16xi32>
      %add3A_264 = arith.addi %mul3A_7, %add3A_263 : vector<16xi32>
      %gather3A_265 = tpu.vector_load_idx %arg9[%add3A_264] : memref<11200xf32, #tpu.memory_space<vmem>>[vector<16xi32>], vector<16xf32>,
      %mul3A_266 = arith.mulf %gather3A_265, %get3A_223 : vector<16xf32>
      %mul3A_267 = vector.broadcast %squeeze3A : f32 to vector<16xf32>
      %mul3A_268 = arith.mulf %mul3A_230, %mul3A_267 : vector<16xf32>
      %mul3A_269 = vector.broadcast %squeeze3A_23 : f32 to vector<16xf32>
      %mul3A_270 = arith.mulf %mul3A_236, %mul3A_269 : vector<16xf32>
      %add3A_271 = arith.addf %mul3A_268, %mul3A_270 : vector<16xf32>
      %mul3A_272 = vector.broadcast %squeeze3A_25 : f32 to vector<16xf32>
      %mul3A_273 = arith.mulf %mul3A_242, %mul3A_272 : vector<16xf32>
      %add3A_274 = arith.addf %add3A_271, %mul3A_273 : vector<16xf32>
      %mul3A_275 = vector.broadcast %squeeze3A_27 : f32 to vector<16xf32>
      %mul3A_276 = arith.mulf %mul3A_248, %mul3A_275 : vector<16xf32>
      %add3A_277 = arith.addf %add3A_274, %mul3A_276 : vector<16xf32>
      %mul3A_278 = vector.broadcast %squeeze3A_29 : f32 to vector<16xf32>
      %mul3A_279 = arith.mulf %mul3A_254, %mul3A_278 : vector<16xf32>
      %add3A_280 = arith.addf %add3A_277, %mul3A_279 : vector<16xf32>
      %add3A_281 = vector.broadcast %squeeze3A_181 : f32 to vector<16xf32>
      %add3A_282 = arith.addf %add3A_280, %add3A_281 : vector<16xf32>
      %max3A = arith.constant 0.000000e+00 : f32
      %max3A_283 = vector.broadcast %max3A : f32 to vector<16xf32>
      %max3A_284 = arith.maximumf %add3A_282, %max3A_283 : vector<16xf32>
      %mul3A_285 = vector.broadcast %squeeze3A_31 : f32 to vector<16xf32>
      %mul3A_286 = arith.mulf %mul3A_230, %mul3A_285 : vector<16xf32>
      %mul3A_287 = vector.broadcast %squeeze3A_33 : f32 to vector<16xf32>
      %mul3A_288 = arith.mulf %mul3A_236, %mul3A_287 : vector<16xf32>
      %add3A_289 = arith.addf %mul3A_286, %mul3A_288 : vector<16xf32>
      %mul3A_290 = vector.broadcast %squeeze3A_35 : f32 to vector<16xf32>
      %mul3A_291 = arith.mulf %mul3A_242, %mul3A_290 : vector<16xf32>
      %add3A_292 = arith.addf %add3A_289, %mul3A_291 : vector<16xf32>
      %mul3A_293 = vector.broadcast %squeeze3A_37 : f32 to vector<16xf32>
      %mul3A_294 = arith.mulf %mul3A_248, %mul3A_293 : vector<16xf32>
      %add3A_295 = arith.addf %add3A_292, %mul3A_294 : vector<16xf32>
      %mul3A_296 = vector.broadcast %squeeze3A_39 : f32 to vector<16xf32>
      %mul3A_297 = arith.mulf %mul3A_254, %mul3A_296 : vector<16xf32>
      %add3A_298 = arith.addf %add3A_295, %mul3A_297 : vector<16xf32>
      %add3A_299 = vector.broadcast %squeeze3A_183 : f32 to vector<16xf32>
      %add3A_300 = arith.addf %add3A_298, %add3A_299 : vector<16xf32>
      %max3A_301 = arith.constant 0.000000e+00 : f32
      %max3A_302 = vector.broadcast %max3A_301 : f32 to vector<16xf32>
      %max3A_303 = arith.maximumf %add3A_300, %max3A_302 : vector<16xf32>
      %mul3A_304 = vector.broadcast %squeeze3A_41 : f32 to vector<16xf32>
      %mul3A_305 = arith.mulf %mul3A_230, %mul3A_304 : vector<16xf32>
      %mul3A_306 = vector.broadcast %squeeze3A_43 : f32 to vector<16xf32>
      %mul3A_307 = arith.mulf %mul3A_236, %mul3A_306 : vector<16xf32>
      %add3A_308 = arith.addf %mul3A_305, %mul3A_307 : vector<16xf32>
      %mul3A_309 = vector.broadcast %squeeze3A_45 : f32 to vector<16xf32>
      %mul3A_310 = arith.mulf %mul3A_242, %mul3A_309 : vector<16xf32>
      %add3A_311 = arith.addf %add3A_308, %mul3A_310 : vector<16xf32>
      %mul3A_312 = vector.broadcast %squeeze3A_47 : f32 to vector<16xf32>
      %mul3A_313 = arith.mulf %mul3A_248, %mul3A_312 : vector<16xf32>
      %add3A_314 = arith.addf %add3A_311, %mul3A_313 : vector<16xf32>
      %mul3A_315 = vector.broadcast %squeeze3A_49 : f32 to vector<16xf32>
      %mul3A_316 = arith.mulf %mul3A_254, %mul3A_315 : vector<16xf32>
      %add3A_317 = arith.addf %add3A_314, %mul3A_316 : vector<16xf32>
      %add3A_318 = vector.broadcast %squeeze3A_185 : f32 to vector<16xf32>
      %add3A_319 = arith.addf %add3A_317, %add3A_318 : vector<16xf32>
      %max3A_320 = arith.constant 0.000000e+00 : f32
      %max3A_321 = vector.broadcast %max3A_320 : f32 to vector<16xf32>
      %max3A_322 = arith.maximumf %add3A_319, %max3A_321 : vector<16xf32>
      %mul3A_323 = vector.broadcast %squeeze3A_51 : f32 to vector<16xf32>
      %mul3A_324 = arith.mulf %mul3A_230, %mul3A_323 : vector<16xf32>
      %mul3A_325 = vector.broadcast %squeeze3A_53 : f32 to vector<16xf32>
      %mul3A_326 = arith.mulf %mul3A_236, %mul3A_325 : vector<16xf32>
      %add3A_327 = arith.addf %mul3A_324, %mul3A_326 : vector<16xf32>
      %mul3A_328 = vector.broadcast %squeeze3A_55 : f32 to vector<16xf32>
      %mul3A_329 = arith.mulf %mul3A_242, %mul3A_328 : vector<16xf32>
      %add3A_330 = arith.addf %add3A_327, %mul3A_329 : vector<16xf32>
      %mul3A_331 = vector.broadcast %squeeze3A_57 : f32 to vector<16xf32>
      %mul3A_332 = arith.mulf %mul3A_248, %mul3A_331 : vector<16xf32>
      %add3A_333 = arith.addf %add3A_330, %mul3A_332 : vector<16xf32>
      %mul3A_334 = vector.broadcast %squeeze3A_59 : f32 to vector<16xf32>
      %mul3A_335 = arith.mulf %mul3A_254, %mul3A_334 : vector<16xf32>
      %add3A_336 = arith.addf %add3A_333, %mul3A_335 : vector<16xf32>
      %add3A_337 = vector.broadcast %squeeze3A_187 : f32 to vector<16xf32>
      %add3A_338 = arith.addf %add3A_336, %add3A_337 : vector<16xf32>
      %max3A_339 = arith.constant 0.000000e+00 : f32
      %max3A_340 = vector.broadcast %max3A_339 : f32 to vector<16xf32>
      %max3A_341 = arith.maximumf %add3A_338, %max3A_340 : vector<16xf32>
      %mul3A_342 = vector.broadcast %squeeze3A_61 : f32 to vector<16xf32>
      %mul3A_343 = arith.mulf %mul3A_230, %mul3A_342 : vector<16xf32>
      %mul3A_344 = vector.broadcast %squeeze3A_63 : f32 to vector<16xf32>
      %mul3A_345 = arith.mulf %mul3A_236, %mul3A_344 : vector<16xf32>
      %add3A_346 = arith.addf %mul3A_343, %mul3A_345 : vector<16xf32>
      %mul3A_347 = vector.broadcast %squeeze3A_65 : f32 to vector<16xf32>
      %mul3A_348 = arith.mulf %mul3A_242, %mul3A_347 : vector<16xf32>
      %add3A_349 = arith.addf %add3A_346, %mul3A_348 : vector<16xf32>
      %mul3A_350 = vector.broadcast %squeeze3A_67 : f32 to vector<16xf32>
      %mul3A_351 = arith.mulf %mul3A_248, %mul3A_350 : vector<16xf32>
      %add3A_352 = arith.addf %add3A_349, %mul3A_351 : vector<16xf32>
      %mul3A_353 = vector.broadcast %squeeze3A_69 : f32 to vector<16xf32>
      %mul3A_354 = arith.mulf %mul3A_254, %mul3A_353 : vector<16xf32>
      %add3A_355 = arith.addf %add3A_352, %mul3A_354 : vector<16xf32>
      %add3A_356 = vector.broadcast %squeeze3A_189 : f32 to vector<16xf32>
      %add3A_357 = arith.addf %add3A_355, %add3A_356 : vector<16xf32>
      %max3A_358 = arith.constant 0.000000e+00 : f32
      %max3A_359 = vector.broadcast %max3A_358 : f32 to vector<16xf32>
      %max3A_360 = arith.maximumf %add3A_357, %max3A_359 : vector<16xf32>
      %mul3A_361 = vector.broadcast %squeeze3A_71 : f32 to vector<16xf32>
      %mul3A_362 = arith.mulf %mul3A_230, %mul3A_361 : vector<16xf32>
      %mul3A_363 = vector.broadcast %squeeze3A_73 : f32 to vector<16xf32>
      %mul3A_364 = arith.mulf %mul3A_236, %mul3A_363 : vector<16xf32>
      %add3A_365 = arith.addf %mul3A_362, %mul3A_364 : vector<16xf32>
      %mul3A_366 = vector.broadcast %squeeze3A_75 : f32 to vector<16xf32>
      %mul3A_367 = arith.mulf %mul3A_242, %mul3A_366 : vector<16xf32>
      %add3A_368 = arith.addf %add3A_365, %mul3A_367 : vector<16xf32>
      %mul3A_369 = vector.broadcast %squeeze3A_77 : f32 to vector<16xf32>
      %mul3A_370 = arith.mulf %mul3A_248, %mul3A_369 : vector<16xf32>
      %add3A_371 = arith.addf %add3A_368, %mul3A_370 : vector<16xf32>
      %mul3A_372 = vector.broadcast %squeeze3A_79 : f32 to vector<16xf32>
      %mul3A_373 = arith.mulf %mul3A_254, %mul3A_372 : vector<16xf32>
      %add3A_374 = arith.addf %add3A_371, %mul3A_373 : vector<16xf32>
      %add3A_375 = vector.broadcast %squeeze3A_191 : f32 to vector<16xf32>
      %add3A_376 = arith.addf %add3A_374, %add3A_375 : vector<16xf32>
      %max3A_377 = arith.constant 0.000000e+00 : f32
      %max3A_378 = vector.broadcast %max3A_377 : f32 to vector<16xf32>
      %max3A_379 = arith.maximumf %add3A_376, %max3A_378 : vector<16xf32>
      %mul3A_380 = vector.broadcast %squeeze3A_81 : f32 to vector<16xf32>
      %mul3A_381 = arith.mulf %mul3A_230, %mul3A_380 : vector<16xf32>
      %mul3A_382 = vector.broadcast %squeeze3A_83 : f32 to vector<16xf32>
      %mul3A_383 = arith.mulf %mul3A_236, %mul3A_382 : vector<16xf32>
      %add3A_384 = arith.addf %mul3A_381, %mul3A_383 : vector<16xf32>
      %mul3A_385 = vector.broadcast %squeeze3A_85 : f32 to vector<16xf32>
      %mul3A_386 = arith.mulf %mul3A_242, %mul3A_385 : vector<16xf32>
      %add3A_387 = arith.addf %add3A_384, %mul3A_386 : vector<16xf32>
      %mul3A_388 = vector.broadcast %squeeze3A_87 : f32 to vector<16xf32>
      %mul3A_389 = arith.mulf %mul3A_248, %mul3A_388 : vector<16xf32>
      %add3A_390 = arith.addf %add3A_387, %mul3A_389 : vector<16xf32>
      %mul3A_391 = vector.broadcast %squeeze3A_89 : f32 to vector<16xf32>
      %mul3A_392 = arith.mulf %mul3A_254, %mul3A_391 : vector<16xf32>
      %add3A_393 = arith.addf %add3A_390, %mul3A_392 : vector<16xf32>
      %add3A_394 = vector.broadcast %squeeze3A_193 : f32 to vector<16xf32>
      %add3A_395 = arith.addf %add3A_393, %add3A_394 : vector<16xf32>
      %max3A_396 = arith.constant 0.000000e+00 : f32
      %max3A_397 = vector.broadcast %max3A_396 : f32 to vector<16xf32>
      %max3A_398 = arith.maximumf %add3A_395, %max3A_397 : vector<16xf32>
      %mul3A_399 = vector.broadcast %squeeze3A_91 : f32 to vector<16xf32>
      %mul3A_400 = arith.mulf %mul3A_230, %mul3A_399 : vector<16xf32>
      %mul3A_401 = vector.broadcast %squeeze3A_93 : f32 to vector<16xf32>
      %mul3A_402 = arith.mulf %mul3A_236, %mul3A_401 : vector<16xf32>
      %add3A_403 = arith.addf %mul3A_400, %mul3A_402 : vector<16xf32>
      %mul3A_404 = vector.broadcast %squeeze3A_95 : f32 to vector<16xf32>
      %mul3A_405 = arith.mulf %mul3A_242, %mul3A_404 : vector<16xf32>
      %add3A_406 = arith.addf %add3A_403, %mul3A_405 : vector<16xf32>
      %mul3A_407 = vector.broadcast %squeeze3A_97 : f32 to vector<16xf32>
      %mul3A_408 = arith.mulf %mul3A_248, %mul3A_407 : vector<16xf32>
      %add3A_409 = arith.addf %add3A_406, %mul3A_408 : vector<16xf32>
      %mul3A_410 = vector.broadcast %squeeze3A_99 : f32 to vector<16xf32>
      %mul3A_411 = arith.mulf %mul3A_254, %mul3A_410 : vector<16xf32>
      %add3A_412 = arith.addf %add3A_409, %mul3A_411 : vector<16xf32>
      %add3A_413 = vector.broadcast %squeeze3A_195 : f32 to vector<16xf32>
      %add3A_414 = arith.addf %add3A_412, %add3A_413 : vector<16xf32>
      %max3A_415 = arith.constant 0.000000e+00 : f32
      %max3A_416 = vector.broadcast %max3A_415 : f32 to vector<16xf32>
      %max3A_417 = arith.maximumf %add3A_414, %max3A_416 : vector<16xf32>
      %mul3A_418 = vector.broadcast %squeeze3A_101 : f32 to vector<16xf32>
      %mul3A_419 = arith.mulf %mul3A_230, %mul3A_418 : vector<16xf32>
      %mul3A_420 = vector.broadcast %squeeze3A_103 : f32 to vector<16xf32>
      %mul3A_421 = arith.mulf %mul3A_236, %mul3A_420 : vector<16xf32>
      %add3A_422 = arith.addf %mul3A_419, %mul3A_421 : vector<16xf32>
      %mul3A_423 = vector.broadcast %squeeze3A_105 : f32 to vector<16xf32>
      %mul3A_424 = arith.mulf %mul3A_242, %mul3A_423 : vector<16xf32>
      %add3A_425 = arith.addf %add3A_422, %mul3A_424 : vector<16xf32>
      %mul3A_426 = vector.broadcast %squeeze3A_107 : f32 to vector<16xf32>
      %mul3A_427 = arith.mulf %mul3A_248, %mul3A_426 : vector<16xf32>
      %add3A_428 = arith.addf %add3A_425, %mul3A_427 : vector<16xf32>
      %mul3A_429 = vector.broadcast %squeeze3A_109 : f32 to vector<16xf32>
      %mul3A_430 = arith.mulf %mul3A_254, %mul3A_429 : vector<16xf32>
      %add3A_431 = arith.addf %add3A_428, %mul3A_430 : vector<16xf32>
      %add3A_432 = vector.broadcast %squeeze3A_197 : f32 to vector<16xf32>
      %add3A_433 = arith.addf %add3A_431, %add3A_432 : vector<16xf32>
      %max3A_434 = arith.constant 0.000000e+00 : f32
      %max3A_435 = vector.broadcast %max3A_434 : f32 to vector<16xf32>
      %max3A_436 = arith.maximumf %add3A_433, %max3A_435 : vector<16xf32>
      %mul3A_437 = vector.broadcast %squeeze3A_111 : f32 to vector<16xf32>
      %mul3A_438 = arith.mulf %mul3A_230, %mul3A_437 : vector<16xf32>
      %mul3A_439 = vector.broadcast %squeeze3A_113 : f32 to vector<16xf32>
      %mul3A_440 = arith.mulf %mul3A_236, %mul3A_439 : vector<16xf32>
      %add3A_441 = arith.addf %mul3A_438, %mul3A_440 : vector<16xf32>
      %mul3A_442 = vector.broadcast %squeeze3A_115 : f32 to vector<16xf32>
      %mul3A_443 = arith.mulf %mul3A_242, %mul3A_442 : vector<16xf32>
      %add3A_444 = arith.addf %add3A_441, %mul3A_443 : vector<16xf32>
      %mul3A_445 = vector.broadcast %squeeze3A_117 : f32 to vector<16xf32>
      %mul3A_446 = arith.mulf %mul3A_248, %mul3A_445 : vector<16xf32>
      %add3A_447 = arith.addf %add3A_444, %mul3A_446 : vector<16xf32>
      %mul3A_448 = vector.broadcast %squeeze3A_119 : f32 to vector<16xf32>
      %mul3A_449 = arith.mulf %mul3A_254, %mul3A_448 : vector<16xf32>
      %add3A_450 = arith.addf %add3A_447, %mul3A_449 : vector<16xf32>
      %add3A_451 = vector.broadcast %squeeze3A_199 : f32 to vector<16xf32>
      %add3A_452 = arith.addf %add3A_450, %add3A_451 : vector<16xf32>
      %max3A_453 = arith.constant 0.000000e+00 : f32
      %max3A_454 = vector.broadcast %max3A_453 : f32 to vector<16xf32>
      %max3A_455 = arith.maximumf %add3A_452, %max3A_454 : vector<16xf32>
      %mul3A_456 = vector.broadcast %squeeze3A_121 : f32 to vector<16xf32>
      %mul3A_457 = arith.mulf %mul3A_230, %mul3A_456 : vector<16xf32>
      %mul3A_458 = vector.broadcast %squeeze3A_123 : f32 to vector<16xf32>
      %mul3A_459 = arith.mulf %mul3A_236, %mul3A_458 : vector<16xf32>
      %add3A_460 = arith.addf %mul3A_457, %mul3A_459 : vector<16xf32>
      %mul3A_461 = vector.broadcast %squeeze3A_125 : f32 to vector<16xf32>
      %mul3A_462 = arith.mulf %mul3A_242, %mul3A_461 : vector<16xf32>
      %add3A_463 = arith.addf %add3A_460, %mul3A_462 : vector<16xf32>
      %mul3A_464 = vector.broadcast %squeeze3A_127 : f32 to vector<16xf32>
      %mul3A_465 = arith.mulf %mul3A_248, %mul3A_464 : vector<16xf32>
      %add3A_466 = arith.addf %add3A_463, %mul3A_465 : vector<16xf32>
      %mul3A_467 = vector.broadcast %squeeze3A_129 : f32 to vector<16xf32>
      %mul3A_468 = arith.mulf %mul3A_254, %mul3A_467 : vector<16xf32>
      %add3A_469 = arith.addf %add3A_466, %mul3A_468 : vector<16xf32>
      %add3A_470 = vector.broadcast %squeeze3A_201 : f32 to vector<16xf32>
      %add3A_471 = arith.addf %add3A_469, %add3A_470 : vector<16xf32>
      %max3A_472 = arith.constant 0.000000e+00 : f32
      %max3A_473 = vector.broadcast %max3A_472 : f32 to vector<16xf32>
      %max3A_474 = arith.maximumf %add3A_471, %max3A_473 : vector<16xf32>
      %mul3A_475 = vector.broadcast %squeeze3A_131 : f32 to vector<16xf32>
      %mul3A_476 = arith.mulf %mul3A_230, %mul3A_475 : vector<16xf32>
      %mul3A_477 = vector.broadcast %squeeze3A_133 : f32 to vector<16xf32>
      %mul3A_478 = arith.mulf %mul3A_236, %mul3A_477 : vector<16xf32>
      %add3A_479 = arith.addf %mul3A_476, %mul3A_478 : vector<16xf32>
      %mul3A_480 = vector.broadcast %squeeze3A_135 : f32 to vector<16xf32>
      %mul3A_481 = arith.mulf %mul3A_242, %mul3A_480 : vector<16xf32>
      %add3A_482 = arith.addf %add3A_479, %mul3A_481 : vector<16xf32>
      %mul3A_483 = vector.broadcast %squeeze3A_137 : f32 to vector<16xf32>
      %mul3A_484 = arith.mulf %mul3A_248, %mul3A_483 : vector<16xf32>
      %add3A_485 = arith.addf %add3A_482, %mul3A_484 : vector<16xf32>
      %mul3A_486 = vector.broadcast %squeeze3A_139 : f32 to vector<16xf32>
      %mul3A_487 = arith.mulf %mul3A_254, %mul3A_486 : vector<16xf32>
      %add3A_488 = arith.addf %add3A_485, %mul3A_487 : vector<16xf32>
      %add3A_489 = vector.broadcast %squeeze3A_203 : f32 to vector<16xf32>
      %add3A_490 = arith.addf %add3A_488, %add3A_489 : vector<16xf32>
      %max3A_491 = arith.constant 0.000000e+00 : f32
      %max3A_492 = vector.broadcast %max3A_491 : f32 to vector<16xf32>
      %max3A_493 = arith.maximumf %add3A_490, %max3A_492 : vector<16xf32>
      %mul3A_494 = vector.broadcast %squeeze3A_141 : f32 to vector<16xf32>
      %mul3A_495 = arith.mulf %mul3A_230, %mul3A_494 : vector<16xf32>
      %mul3A_496 = vector.broadcast %squeeze3A_143 : f32 to vector<16xf32>
      %mul3A_497 = arith.mulf %mul3A_236, %mul3A_496 : vector<16xf32>
      %add3A_498 = arith.addf %mul3A_495, %mul3A_497 : vector<16xf32>
      %mul3A_499 = vector.broadcast %squeeze3A_145 : f32 to vector<16xf32>
      %mul3A_500 = arith.mulf %mul3A_242, %mul3A_499 : vector<16xf32>
      %add3A_501 = arith.addf %add3A_498, %mul3A_500 : vector<16xf32>
      %mul3A_502 = vector.broadcast %squeeze3A_147 : f32 to vector<16xf32>
      %mul3A_503 = arith.mulf %mul3A_248, %mul3A_502 : vector<16xf32>
      %add3A_504 = arith.addf %add3A_501, %mul3A_503 : vector<16xf32>
      %mul3A_505 = vector.broadcast %squeeze3A_149 : f32 to vector<16xf32>
      %mul3A_506 = arith.mulf %mul3A_254, %mul3A_505 : vector<16xf32>
      %add3A_507 = arith.addf %add3A_504, %mul3A_506 : vector<16xf32>
      %add3A_508 = vector.broadcast %squeeze3A_205 : f32 to vector<16xf32>
      %add3A_509 = arith.addf %add3A_507, %add3A_508 : vector<16xf32>
      %max3A_510 = arith.constant 0.000000e+00 : f32
      %max3A_511 = vector.broadcast %max3A_510 : f32 to vector<16xf32>
      %max3A_512 = arith.maximumf %add3A_509, %max3A_511 : vector<16xf32>
      %mul3A_513 = vector.broadcast %squeeze3A_151 : f32 to vector<16xf32>
      %mul3A_514 = arith.mulf %mul3A_230, %mul3A_513 : vector<16xf32>
      %mul3A_515 = vector.broadcast %squeeze3A_153 : f32 to vector<16xf32>
      %mul3A_516 = arith.mulf %mul3A_236, %mul3A_515 : vector<16xf32>
      %add3A_517 = arith.addf %mul3A_514, %mul3A_516 : vector<16xf32>
      %mul3A_518 = vector.broadcast %squeeze3A_155 : f32 to vector<16xf32>
      %mul3A_519 = arith.mulf %mul3A_242, %mul3A_518 : vector<16xf32>
      %add3A_520 = arith.addf %add3A_517, %mul3A_519 : vector<16xf32>
      %mul3A_521 = vector.broadcast %squeeze3A_157 : f32 to vector<16xf32>
      %mul3A_522 = arith.mulf %mul3A_248, %mul3A_521 : vector<16xf32>
      %add3A_523 = arith.addf %add3A_520, %mul3A_522 : vector<16xf32>
      %mul3A_524 = vector.broadcast %squeeze3A_159 : f32 to vector<16xf32>
      %mul3A_525 = arith.mulf %mul3A_254, %mul3A_524 : vector<16xf32>
      %add3A_526 = arith.addf %add3A_523, %mul3A_525 : vector<16xf32>
      %add3A_527 = vector.broadcast %squeeze3A_207 : f32 to vector<16xf32>
      %add3A_528 = arith.addf %add3A_526, %add3A_527 : vector<16xf32>
      %max3A_529 = arith.constant 0.000000e+00 : f32
      %max3A_530 = vector.broadcast %max3A_529 : f32 to vector<16xf32>
      %max3A_531 = arith.maximumf %add3A_528, %max3A_530 : vector<16xf32>
      %mul3A_532 = vector.broadcast %squeeze3A_161 : f32 to vector<16xf32>
      %mul3A_533 = arith.mulf %mul3A_230, %mul3A_532 : vector<16xf32>
      %mul3A_534 = vector.broadcast %squeeze3A_163 : f32 to vector<16xf32>
      %mul3A_535 = arith.mulf %mul3A_236, %mul3A_534 : vector<16xf32>
      %add3A_536 = arith.addf %mul3A_533, %mul3A_535 : vector<16xf32>
      %mul3A_537 = vector.broadcast %squeeze3A_165 : f32 to vector<16xf32>
      %mul3A_538 = arith.mulf %mul3A_242, %mul3A_537 : vector<16xf32>
      %add3A_539 = arith.addf %add3A_536, %mul3A_538 : vector<16xf32>
      %mul3A_540 = vector.broadcast %squeeze3A_167 : f32 to vector<16xf32>
      %mul3A_541 = arith.mulf %mul3A_248, %mul3A_540 : vector<16xf32>
      %add3A_542 = arith.addf %add3A_539, %mul3A_541 : vector<16xf32>
      %mul3A_543 = vector.broadcast %squeeze3A_169 : f32 to vector<16xf32>
      %mul3A_544 = arith.mulf %mul3A_254, %mul3A_543 : vector<16xf32>
      %add3A_545 = arith.addf %add3A_542, %mul3A_544 : vector<16xf32>
      %add3A_546 = vector.broadcast %squeeze3A_209 : f32 to vector<16xf32>
      %add3A_547 = arith.addf %add3A_545, %add3A_546 : vector<16xf32>
      %max3A_548 = arith.constant 0.000000e+00 : f32
      %max3A_549 = vector.broadcast %max3A_548 : f32 to vector<16xf32>
      %max3A_550 = arith.maximumf %add3A_547, %max3A_549 : vector<16xf32>
      %mul3A_551 = vector.broadcast %squeeze3A_171 : f32 to vector<16xf32>
      %mul3A_552 = arith.mulf %mul3A_230, %mul3A_551 : vector<16xf32>
      %mul3A_553 = vector.broadcast %squeeze3A_173 : f32 to vector<16xf32>
      %mul3A_554 = arith.mulf %mul3A_236, %mul3A_553 : vector<16xf32>
      %add3A_555 = arith.addf %mul3A_552, %mul3A_554 : vector<16xf32>
      %mul3A_556 = vector.broadcast %squeeze3A_175 : f32 to vector<16xf32>
      %mul3A_557 = arith.mulf %mul3A_242, %mul3A_556 : vector<16xf32>
      %add3A_558 = arith.addf %add3A_555, %mul3A_557 : vector<16xf32>
      %mul3A_559 = vector.broadcast %squeeze3A_177 : f32 to vector<16xf32>
      %mul3A_560 = arith.mulf %mul3A_248, %mul3A_559 : vector<16xf32>
      %add3A_561 = arith.addf %add3A_558, %mul3A_560 : vector<16xf32>
      %mul3A_562 = vector.broadcast %squeeze3A_179 : f32 to vector<16xf32>
      %mul3A_563 = arith.mulf %mul3A_254, %mul3A_562 : vector<16xf32>
      %add3A_564 = arith.addf %add3A_561, %mul3A_563 : vector<16xf32>
      %add3A_565 = vector.broadcast %squeeze3A_211 : f32 to vector<16xf32>
      %add3A_566 = arith.addf %add3A_564, %add3A_565 : vector<16xf32>
      %max3A_567 = arith.constant 0.000000e+00 : f32
      %max3A_568 = vector.broadcast %max3A_567 : f32 to vector<16xf32>
      %max3A_569 = arith.maximumf %add3A_566, %max3A_568 : vector<16xf32>
      %convert_element_type3A = arith.fptosi %mul3A_260 : vector<16xf32> to vector<16xi32>
      %convert_element_type3A_570 = arith.fptosi %mul3A_266 : vector<16xf32> to vector<16xi32>
      %ge3A = arith.constant 5.000000e-01 : f32
      %ge3A_571 = vector.broadcast %ge3A : f32 to vector<16xf32>
      %ge3A_572 = arith.cmpf oge, %get3A_223, %ge3A_571 : vector<16xf32>
      %ge3A_573 = arith.constant 1 : i32
      %ge3A_574 = vector.broadcast %ge3A_573 : i32 to vector<16xi32>
      %ge3A_575 = arith.cmpi sge, %convert_element_type3A, %ge3A_574 : vector<16xi32>
      %and3A = arith.andi %ge3A_572, %ge3A_575 : vector<16xi1>
      %le3A = arith.constant 94 : i32
      %le3A_576 = vector.broadcast %le3A : i32 to vector<16xi32>
      %le3A_577 = arith.cmpi sle, %convert_element_type3A, %le3A_576 : vector<16xi32>
      %and3A_578 = arith.andi %and3A, %le3A_577 : vector<16xi1>
      %jit3A = arith.constant 0.000000e+00 : f32
      %broadcast_in_dim3A = vector.broadcast %jit3A : f32 to vector<16xf32>
      %select_n3A = arith.select %ge3A_572, %get3A_223, %broadcast_in_dim3A : vector<16xi1>, vector<16xf32>
      %jit3A_579 = arith.constant 0.000000e+00 : f32
      %broadcast_in_dim3A_580 = vector.broadcast %jit3A_579 : f32 to vector<16xf32>
      %select_n3A_581 = arith.select %and3A_578, %get3A_223, %broadcast_in_dim3A_580 : vector<16xi1>, vector<16xf32>
      %jit3A_582 = arith.constant 0 : i32
      %jit3A_583 = arith.constant 94 : i32
      %max3A_584 = vector.broadcast %jit3A_582 : i32 to vector<16xi32>
      %max3A_585 = arith.maxsi %max3A_584, %convert_element_type3A : vector<16xi32>
      %min3A = vector.broadcast %jit3A_583 : i32 to vector<16xi32>
      %min3A_586 = arith.minsi %min3A, %max3A_585 : vector<16xi32>
      %mul3A_587 = arith.constant 8 : i32
      %mul3A_588 = vector.broadcast %mul3A_587 : i32 to vector<16xi32>
      %mul3A_589 = arith.muli %min3A_586, %mul3A_588 : vector<16xi32>
      %jit3A_590 = arith.constant 0 : i32
      %jit3A_591 = arith.constant 5 : i32
      %max3A_592 = vector.broadcast %jit3A_590 : i32 to vector<16xi32>
      %max3A_593 = arith.maxsi %max3A_592, %convert_element_type3A_570 : vector<16xi32>
      %min3A_594 = vector.broadcast %jit3A_591 : i32 to vector<16xi32>
      %min3A_595 = arith.minsi %min3A_594, %max3A_593 : vector<16xi32>
      %mul3A_596 = arith.constant 4 : i32
      %mul3A_597 = vector.broadcast %mul3A_596 : i32 to vector<16xi32>
      %mul3A_598 = arith.muli %min3A_595, %mul3A_597 : vector<16xi32>
      %add3A_599 = arith.constant 0 : i32
      %add3A_600 = vector.broadcast %add3A_599 : i32 to vector<16xi32>
      %add3A_601 = arith.addi %mul3A_589, %add3A_600 : vector<16xi32>
      %gather3A_602 = tpu.vector_load_idx %arg13[%add3A_601] : memref<760xf32, #tpu.memory_space<vmem>>[vector<16xi32>], vector<16xf32>,
      %mul3A_603 = arith.mulf %gather3A_602, %select_n3A_581 : vector<16xf32>
      %add3A_604 = arith.constant 1 : i32
      %add3A_605 = vector.broadcast %add3A_604 : i32 to vector<16xi32>
      %add3A_606 = arith.addi %mul3A_589, %add3A_605 : vector<16xi32>
      %gather3A_607 = tpu.vector_load_idx %arg13[%add3A_606] : memref<760xf32, #tpu.memory_space<vmem>>[vector<16xi32>], vector<16xf32>,
      %mul3A_608 = arith.mulf %gather3A_607, %select_n3A_581 : vector<16xf32>
      %add3A_609 = arith.constant 2 : i32
      %add3A_610 = vector.broadcast %add3A_609 : i32 to vector<16xi32>
      %add3A_611 = arith.addi %mul3A_589, %add3A_610 : vector<16xi32>
      %gather3A_612 = tpu.vector_load_idx %arg13[%add3A_611] : memref<760xf32, #tpu.memory_space<vmem>>[vector<16xi32>], vector<16xf32>,
      %mul3A_613 = arith.mulf %gather3A_612, %select_n3A_581 : vector<16xf32>
      %add3A_614 = arith.constant 3 : i32
      %add3A_615 = vector.broadcast %add3A_614 : i32 to vector<16xi32>
      %add3A_616 = arith.addi %mul3A_589, %add3A_615 : vector<16xi32>
      %gather3A_617 = tpu.vector_load_idx %arg13[%add3A_616] : memref<760xf32, #tpu.memory_space<vmem>>[vector<16xi32>], vector<16xf32>,
      %mul3A_618 = arith.mulf %gather3A_617, %select_n3A_581 : vector<16xf32>
      %add3A_619 = arith.constant 4 : i32
      %add3A_620 = vector.broadcast %add3A_619 : i32 to vector<16xi32>
      %add3A_621 = arith.addi %mul3A_589, %add3A_620 : vector<16xi32>
      %gather3A_622 = tpu.vector_load_idx %arg13[%add3A_621] : memref<760xf32, #tpu.memory_space<vmem>>[vector<16xi32>], vector<16xf32>,
      %mul3A_623 = arith.mulf %gather3A_622, %select_n3A_581 : vector<16xf32>
      %add3A_624 = arith.constant 5 : i32
      %add3A_625 = vector.broadcast %add3A_624 : i32 to vector<16xi32>
      %add3A_626 = arith.addi %mul3A_589, %add3A_625 : vector<16xi32>
      %gather3A_627 = tpu.vector_load_idx %arg13[%add3A_626] : memref<760xf32, #tpu.memory_space<vmem>>[vector<16xi32>], vector<16xf32>,
      %mul3A_628 = arith.mulf %gather3A_627, %select_n3A_581 : vector<16xf32>
      %add3A_629 = arith.constant 6 : i32
      %add3A_630 = vector.broadcast %add3A_629 : i32 to vector<16xi32>
      %add3A_631 = arith.addi %mul3A_589, %add3A_630 : vector<16xi32>
      %gather3A_632 = tpu.vector_load_idx %arg13[%add3A_631] : memref<760xf32, #tpu.memory_space<vmem>>[vector<16xi32>], vector<16xf32>,
      %mul3A_633 = arith.mulf %gather3A_632, %select_n3A_581 : vector<16xf32>
      %add3A_634 = arith.constant 7 : i32
      %add3A_635 = vector.broadcast %add3A_634 : i32 to vector<16xi32>
      %add3A_636 = arith.addi %mul3A_589, %add3A_635 : vector<16xi32>
      %gather3A_637 = tpu.vector_load_idx %arg13[%add3A_636] : memref<760xf32, #tpu.memory_space<vmem>>[vector<16xi32>], vector<16xf32>,
      %mul3A_638 = arith.mulf %gather3A_637, %select_n3A_581 : vector<16xf32>
      %add3A_639 = arith.constant 0 : i32
      %add3A_640 = vector.broadcast %add3A_639 : i32 to vector<16xi32>
      %add3A_641 = arith.addi %mul3A_598, %add3A_640 : vector<16xi32>
      %gather3A_642 = tpu.vector_load_idx %arg14[%add3A_641] : memref<24xf32, #tpu.memory_space<vmem>>[vector<16xi32>], vector<16xf32>,
      %mul3A_643 = arith.mulf %gather3A_642, %select_n3A_581 : vector<16xf32>
      %add3A_644 = arith.constant 1 : i32
      %add3A_645 = vector.broadcast %add3A_644 : i32 to vector<16xi32>
      %add3A_646 = arith.addi %mul3A_598, %add3A_645 : vector<16xi32>
      %gather3A_647 = tpu.vector_load_idx %arg14[%add3A_646] : memref<24xf32, #tpu.memory_space<vmem>>[vector<16xi32>], vector<16xf32>,
      %mul3A_648 = arith.mulf %gather3A_647, %select_n3A_581 : vector<16xf32>
      %add3A_649 = arith.constant 2 : i32
      %add3A_650 = vector.broadcast %add3A_649 : i32 to vector<16xi32>
      %add3A_651 = arith.addi %mul3A_598, %add3A_650 : vector<16xi32>
      %gather3A_652 = tpu.vector_load_idx %arg14[%add3A_651] : memref<24xf32, #tpu.memory_space<vmem>>[vector<16xi32>], vector<16xf32>,
      %mul3A_653 = arith.mulf %gather3A_652, %select_n3A_581 : vector<16xf32>
      %add3A_654 = arith.constant 3 : i32
      %add3A_655 = vector.broadcast %add3A_654 : i32 to vector<16xi32>
      %add3A_656 = arith.addi %mul3A_598, %add3A_655 : vector<16xi32>
      %gather3A_657 = tpu.vector_load_idx %arg14[%add3A_656] : memref<24xf32, #tpu.memory_space<vmem>>[vector<16xi32>], vector<16xf32>,
      %mul3A_658 = arith.mulf %gather3A_657, %select_n3A_581 : vector<16xf32>
      %mul3A_659 = arith.constant 28 : i32
      %mul3A_660 = arith.muli %mul3A_221, %mul3A_659 : i32
      %add3A_661 = arith.constant 0 : i32
      %add3A_662 = arith.addi %mul3A_660, %add3A_661 : i32
      %add3A_663 = vector.broadcast %add3A_662 : i32 to vector<16xi32>
      %add3A_664 = arith.addi %mul3A_10, %add3A_663 : vector<16xi32>
      %mul3A_665 = arith.mulf %max3A_284, %select_n3A : vector<16xf32>
      tpu.vector_store_idx %arg15[%add3A_664], %mul3A_665 : memref<44800xf32, #tpu.memory_space<vmem>>[vector<16xi32>], vector<16xf32>,
      %add3A_666 = arith.constant 1 : i32
      %add3A_667 = arith.addi %mul3A_660, %add3A_666 : i32
      %add3A_668 = vector.broadcast %add3A_667 : i32 to vector<16xi32>
      %add3A_669 = arith.addi %mul3A_10, %add3A_668 : vector<16xi32>
      %mul3A_670 = arith.mulf %max3A_303, %select_n3A : vector<16xf32>
      tpu.vector_store_idx %arg15[%add3A_669], %mul3A_670 : memref<44800xf32, #tpu.memory_space<vmem>>[vector<16xi32>], vector<16xf32>,
      %add3A_671 = arith.constant 2 : i32
      %add3A_672 = arith.addi %mul3A_660, %add3A_671 : i32
      %add3A_673 = vector.broadcast %add3A_672 : i32 to vector<16xi32>
      %add3A_674 = arith.addi %mul3A_10, %add3A_673 : vector<16xi32>
      %mul3A_675 = arith.mulf %max3A_322, %select_n3A : vector<16xf32>
      tpu.vector_store_idx %arg15[%add3A_674], %mul3A_675 : memref<44800xf32, #tpu.memory_space<vmem>>[vector<16xi32>], vector<16xf32>,
      %add3A_676 = arith.constant 3 : i32
      %add3A_677 = arith.addi %mul3A_660, %add3A_676 : i32
      %add3A_678 = vector.broadcast %add3A_677 : i32 to vector<16xi32>
      %add3A_679 = arith.addi %mul3A_10, %add3A_678 : vector<16xi32>
      %mul3A_680 = arith.mulf %max3A_341, %select_n3A : vector<16xf32>
      tpu.vector_store_idx %arg15[%add3A_679], %mul3A_680 : memref<44800xf32, #tpu.memory_space<vmem>>[vector<16xi32>], vector<16xf32>,
      %add3A_681 = arith.constant 4 : i32
      %add3A_682 = arith.addi %mul3A_660, %add3A_681 : i32
      %add3A_683 = vector.broadcast %add3A_682 : i32 to vector<16xi32>
      %add3A_684 = arith.addi %mul3A_10, %add3A_683 : vector<16xi32>
      %mul3A_685 = arith.mulf %max3A_360, %select_n3A : vector<16xf32>
      tpu.vector_store_idx %arg15[%add3A_684], %mul3A_685 : memref<44800xf32, #tpu.memory_space<vmem>>[vector<16xi32>], vector<16xf32>,
      %add3A_686 = arith.constant 5 : i32
      %add3A_687 = arith.addi %mul3A_660, %add3A_686 : i32
      %add3A_688 = vector.broadcast %add3A_687 : i32 to vector<16xi32>
      %add3A_689 = arith.addi %mul3A_10, %add3A_688 : vector<16xi32>
      %mul3A_690 = arith.mulf %max3A_379, %select_n3A : vector<16xf32>
      tpu.vector_store_idx %arg15[%add3A_689], %mul3A_690 : memref<44800xf32, #tpu.memory_space<vmem>>[vector<16xi32>], vector<16xf32>,
      %add3A_691 = arith.constant 6 : i32
      %add3A_692 = arith.addi %mul3A_660, %add3A_691 : i32
      %add3A_693 = vector.broadcast %add3A_692 : i32 to vector<16xi32>
      %add3A_694 = arith.addi %mul3A_10, %add3A_693 : vector<16xi32>
      %mul3A_695 = arith.mulf %max3A_398, %select_n3A : vector<16xf32>
      tpu.vector_store_idx %arg15[%add3A_694], %mul3A_695 : memref<44800xf32, #tpu.memory_space<vmem>>[vector<16xi32>], vector<16xf32>,
      %add3A_696 = arith.constant 7 : i32
      %add3A_697 = arith.addi %mul3A_660, %add3A_696 : i32
      %add3A_698 = vector.broadcast %add3A_697 : i32 to vector<16xi32>
      %add3A_699 = arith.addi %mul3A_10, %add3A_698 : vector<16xi32>
      %mul3A_700 = arith.mulf %max3A_417, %select_n3A : vector<16xf32>
      tpu.vector_store_idx %arg15[%add3A_699], %mul3A_700 : memref<44800xf32, #tpu.memory_space<vmem>>[vector<16xi32>], vector<16xf32>,
      %add3A_701 = arith.constant 8 : i32
      %add3A_702 = arith.addi %mul3A_660, %add3A_701 : i32
      %add3A_703 = vector.broadcast %add3A_702 : i32 to vector<16xi32>
      %add3A_704 = arith.addi %mul3A_10, %add3A_703 : vector<16xi32>
      %mul3A_705 = arith.mulf %max3A_436, %select_n3A : vector<16xf32>
      tpu.vector_store_idx %arg15[%add3A_704], %mul3A_705 : memref<44800xf32, #tpu.memory_space<vmem>>[vector<16xi32>], vector<16xf32>,
      %add3A_706 = arith.constant 9 : i32
      %add3A_707 = arith.addi %mul3A_660, %add3A_706 : i32
      %add3A_708 = vector.broadcast %add3A_707 : i32 to vector<16xi32>
      %add3A_709 = arith.addi %mul3A_10, %add3A_708 : vector<16xi32>
      %mul3A_710 = arith.mulf %max3A_455, %select_n3A : vector<16xf32>
      tpu.vector_store_idx %arg15[%add3A_709], %mul3A_710 : memref<44800xf32, #tpu.memory_space<vmem>>[vector<16xi32>], vector<16xf32>,
      %add3A_711 = arith.constant 10 : i32
      %add3A_712 = arith.addi %mul3A_660, %add3A_711 : i32
      %add3A_713 = vector.broadcast %add3A_712 : i32 to vector<16xi32>
      %add3A_714 = arith.addi %mul3A_10, %add3A_713 : vector<16xi32>
      %mul3A_715 = arith.mulf %max3A_474, %select_n3A : vector<16xf32>
      tpu.vector_store_idx %arg15[%add3A_714], %mul3A_715 : memref<44800xf32, #tpu.memory_space<vmem>>[vector<16xi32>], vector<16xf32>,
      %add3A_716 = arith.constant 11 : i32
      %add3A_717 = arith.addi %mul3A_660, %add3A_716 : i32
      %add3A_718 = vector.broadcast %add3A_717 : i32 to vector<16xi32>
      %add3A_719 = arith.addi %mul3A_10, %add3A_718 : vector<16xi32>
      %mul3A_720 = arith.mulf %max3A_493, %select_n3A : vector<16xf32>
      tpu.vector_store_idx %arg15[%add3A_719], %mul3A_720 : memref<44800xf32, #tpu.memory_space<vmem>>[vector<16xi32>], vector<16xf32>,
      %add3A_721 = arith.constant 12 : i32
      %add3A_722 = arith.addi %mul3A_660, %add3A_721 : i32
      %add3A_723 = vector.broadcast %add3A_722 : i32 to vector<16xi32>
      %add3A_724 = arith.addi %mul3A_10, %add3A_723 : vector<16xi32>
      %mul3A_725 = arith.mulf %max3A_512, %select_n3A : vector<16xf32>
      tpu.vector_store_idx %arg15[%add3A_724], %mul3A_725 : memref<44800xf32, #tpu.memory_space<vmem>>[vector<16xi32>], vector<16xf32>,
      %add3A_726 = arith.constant 13 : i32
      %add3A_727 = arith.addi %mul3A_660, %add3A_726 : i32
      %add3A_728 = vector.broadcast %add3A_727 : i32 to vector<16xi32>
      %add3A_729 = arith.addi %mul3A_10, %add3A_728 : vector<16xi32>
      %mul3A_730 = arith.mulf %max3A_531, %select_n3A : vector<16xf32>
      tpu.vector_store_idx %arg15[%add3A_729], %mul3A_730 : memref<44800xf32, #tpu.memory_space<vmem>>[vector<16xi32>], vector<16xf32>,
      %add3A_731 = arith.constant 14 : i32
      %add3A_732 = arith.addi %mul3A_660, %add3A_731 : i32
      %add3A_733 = vector.broadcast %add3A_732 : i32 to vector<16xi32>
      %add3A_734 = arith.addi %mul3A_10, %add3A_733 : vector<16xi32>
      %mul3A_735 = arith.mulf %max3A_550, %select_n3A : vector<16xf32>
      tpu.vector_store_idx %arg15[%add3A_734], %mul3A_735 : memref<44800xf32, #tpu.memory_space<vmem>>[vector<16xi32>], vector<16xf32>,
      %add3A_736 = arith.constant 15 : i32
      %add3A_737 = arith.addi %mul3A_660, %add3A_736 : i32
      %add3A_738 = vector.broadcast %add3A_737 : i32 to vector<16xi32>
      %add3A_739 = arith.addi %mul3A_10, %add3A_738 : vector<16xi32>
      %mul3A_740 = arith.mulf %max3A_569, %select_n3A : vector<16xf32>
      tpu.vector_store_idx %arg15[%add3A_739], %mul3A_740 : memref<44800xf32, #tpu.memory_space<vmem>>[vector<16xi32>], vector<16xf32>,
      %add3A_741 = arith.constant 16 : i32
      %add3A_742 = arith.addi %mul3A_660, %add3A_741 : i32
      %add3A_743 = arith.constant 0 : i32
      %add3A_744 = arith.addi %add3A_742, %add3A_743 : i32
      %add3A_745 = vector.broadcast %add3A_744 : i32 to vector<16xi32>
      %add3A_746 = arith.addi %mul3A_10, %add3A_745 : vector<16xi32>
      tpu.vector_store_idx %arg15[%add3A_746], %mul3A_603 : memref<44800xf32, #tpu.memory_space<vmem>>[vector<16xi32>], vector<16xf32>,
      %add3A_747 = arith.constant 16 : i32
      %add3A_748 = arith.addi %mul3A_660, %add3A_747 : i32
      %add3A_749 = arith.constant 1 : i32
      %add3A_750 = arith.addi %add3A_748, %add3A_749 : i32
      %add3A_751 = vector.broadcast %add3A_750 : i32 to vector<16xi32>
      %add3A_752 = arith.addi %mul3A_10, %add3A_751 : vector<16xi32>
      tpu.vector_store_idx %arg15[%add3A_752], %mul3A_608 : memref<44800xf32, #tpu.memory_space<vmem>>[vector<16xi32>], vector<16xf32>,
      %add3A_753 = arith.constant 16 : i32
      %add3A_754 = arith.addi %mul3A_660, %add3A_753 : i32
      %add3A_755 = arith.constant 2 : i32
      %add3A_756 = arith.addi %add3A_754, %add3A_755 : i32
      %add3A_757 = vector.broadcast %add3A_756 : i32 to vector<16xi32>
      %add3A_758 = arith.addi %mul3A_10, %add3A_757 : vector<16xi32>
      tpu.vector_store_idx %arg15[%add3A_758], %mul3A_613 : memref<44800xf32, #tpu.memory_space<vmem>>[vector<16xi32>], vector<16xf32>,
      %add3A_759 = arith.constant 16 : i32
      %add3A_760 = arith.addi %mul3A_660, %add3A_759 : i32
      %add3A_761 = arith.constant 3 : i32
      %add3A_762 = arith.addi %add3A_760, %add3A_761 : i32
      %add3A_763 = vector.broadcast %add3A_762 : i32 to vector<16xi32>
      %add3A_764 = arith.addi %mul3A_10, %add3A_763 : vector<16xi32>
      tpu.vector_store_idx %arg15[%add3A_764], %mul3A_618 : memref<44800xf32, #tpu.memory_space<vmem>>[vector<16xi32>], vector<16xf32>,
      %add3A_765 = arith.constant 16 : i32
      %add3A_766 = arith.addi %mul3A_660, %add3A_765 : i32
      %add3A_767 = arith.constant 4 : i32
      %add3A_768 = arith.addi %add3A_766, %add3A_767 : i32
      %add3A_769 = vector.broadcast %add3A_768 : i32 to vector<16xi32>
      %add3A_770 = arith.addi %mul3A_10, %add3A_769 : vector<16xi32>
      tpu.vector_store_idx %arg15[%add3A_770], %mul3A_623 : memref<44800xf32, #tpu.memory_space<vmem>>[vector<16xi32>], vector<16xf32>,
      %add3A_771 = arith.constant 16 : i32
      %add3A_772 = arith.addi %mul3A_660, %add3A_771 : i32
      %add3A_773 = arith.constant 5 : i32
      %add3A_774 = arith.addi %add3A_772, %add3A_773 : i32
      %add3A_775 = vector.broadcast %add3A_774 : i32 to vector<16xi32>
      %add3A_776 = arith.addi %mul3A_10, %add3A_775 : vector<16xi32>
      tpu.vector_store_idx %arg15[%add3A_776], %mul3A_628 : memref<44800xf32, #tpu.memory_space<vmem>>[vector<16xi32>], vector<16xf32>,
      %add3A_777 = arith.constant 16 : i32
      %add3A_778 = arith.addi %mul3A_660, %add3A_777 : i32
      %add3A_779 = arith.constant 6 : i32
      %add3A_780 = arith.addi %add3A_778, %add3A_779 : i32
      %add3A_781 = vector.broadcast %add3A_780 : i32 to vector<16xi32>
      %add3A_782 = arith.addi %mul3A_10, %add3A_781 : vector<16xi32>
      tpu.vector_store_idx %arg15[%add3A_782], %mul3A_633 : memref<44800xf32, #tpu.memory_space<vmem>>[vector<16xi32>], vector<16xf32>,
      %add3A_783 = arith.constant 16 : i32
      %add3A_784 = arith.addi %mul3A_660, %add3A_783 : i32
      %add3A_785 = arith.constant 7 : i32
      %add3A_786 = arith.addi %add3A_784, %add3A_785 : i32
      %add3A_787 = vector.broadcast %add3A_786 : i32 to vector<16xi32>
      %add3A_788 = arith.addi %mul3A_10, %add3A_787 : vector<16xi32>
      tpu.vector_store_idx %arg15[%add3A_788], %mul3A_638 : memref<44800xf32, #tpu.memory_space<vmem>>[vector<16xi32>], vector<16xf32>,
      %add3A_789 = arith.constant 16 : i32
      %add3A_790 = arith.addi %mul3A_660, %add3A_789 : i32
      %add3A_791 = arith.constant 8 : i32
      %add3A_792 = arith.addi %add3A_790, %add3A_791 : i32
      %add3A_793 = vector.broadcast %add3A_792 : i32 to vector<16xi32>
      %add3A_794 = arith.addi %mul3A_10, %add3A_793 : vector<16xi32>
      tpu.vector_store_idx %arg15[%add3A_794], %mul3A_643 : memref<44800xf32, #tpu.memory_space<vmem>>[vector<16xi32>], vector<16xf32>,
      %add3A_795 = arith.constant 16 : i32
      %add3A_796 = arith.addi %mul3A_660, %add3A_795 : i32
      %add3A_797 = arith.constant 9 : i32
      %add3A_798 = arith.addi %add3A_796, %add3A_797 : i32
      %add3A_799 = vector.broadcast %add3A_798 : i32 to vector<16xi32>
      %add3A_800 = arith.addi %mul3A_10, %add3A_799 : vector<16xi32>
      tpu.vector_store_idx %arg15[%add3A_800], %mul3A_648 : memref<44800xf32, #tpu.memory_space<vmem>>[vector<16xi32>], vector<16xf32>,
      %add3A_801 = arith.constant 16 : i32
      %add3A_802 = arith.addi %mul3A_660, %add3A_801 : i32
      %add3A_803 = arith.constant 10 : i32
      %add3A_804 = arith.addi %add3A_802, %add3A_803 : i32
      %add3A_805 = vector.broadcast %add3A_804 : i32 to vector<16xi32>
      %add3A_806 = arith.addi %mul3A_10, %add3A_805 : vector<16xi32>
      tpu.vector_store_idx %arg15[%add3A_806], %mul3A_653 : memref<44800xf32, #tpu.memory_space<vmem>>[vector<16xi32>], vector<16xf32>,
      %add3A_807 = arith.constant 16 : i32
      %add3A_808 = arith.addi %mul3A_660, %add3A_807 : i32
      %add3A_809 = arith.constant 11 : i32
      %add3A_810 = arith.addi %add3A_808, %add3A_809 : i32
      %add3A_811 = vector.broadcast %add3A_810 : i32 to vector<16xi32>
      %add3A_812 = arith.addi %mul3A_10, %add3A_811 : vector<16xi32>
      tpu.vector_store_idx %arg15[%add3A_812], %mul3A_658 : memref<44800xf32, #tpu.memory_space<vmem>>[vector<16xi32>], vector<16xf32>,
    }
    %scan3A_216 = arith.constant 100 : i32
    %mul3A_217 = arith.constant 28 : i32
    %mul3A_218 = arith.muli %mul3A_2, %mul3A_217 : i32
    "tpu.region"() ({
      %run_scoped3A = tpu.sem_alloc : memref<!tpu.dma_semaphore, #tpu.memory_space<semaphore_mem>>
      %dma_start3A = tpu.memref_slice %arg8[%mul3A_218] : memref<1433600xf32, #tpu.memory_space<hbm>> -> memref<44800xf32, #tpu.memory_space<hbm>>
      %dma_start3A_219 = tpu.memref_slice %arg8[%mul3A_218] : memref<1433600xf32, #tpu.memory_space<hbm>> -> memref<44800xf32, #tpu.memory_space<hbm>>
      tpu.enqueue_dma source(%arg15 : memref<44800xf32, #tpu.memory_space<vmem>>) target(%dma_start3A_219 : memref<44800xf32, #tpu.memory_space<hbm>>) target_semaphore(%run_scoped3A : memref<!tpu.dma_semaphore, #tpu.memory_space<semaphore_mem>>)
      %dma_wait3A = tpu.memref_slice %arg8[%mul3A_218] : memref<1433600xf32, #tpu.memory_space<hbm>> -> memref<44800xf32, #tpu.memory_space<hbm>>
      %dma_wait3A_220 = tpu.memref_slice %arg8[%mul3A_218] : memref<1433600xf32, #tpu.memory_space<hbm>> -> memref<44800xf32, #tpu.memory_space<hbm>>
      tpu.wait_dma2 semaphore(%run_scoped3A : memref<!tpu.dma_semaphore, #tpu.memory_space<semaphore_mem>>) src(%arg15 : memref<44800xf32, #tpu.memory_space<vmem>>) dst(%dma_wait3A_220 : memref<44800xf32, #tpu.memory_space<hbm>>)
      tpu.yield
    }) : () -> ()
    return
  }
}

</mosaic_0001>

<sc_bundles>
// kernel: kernel.3.cloned.1.call-start
scs
__scs_entry_jumppad:
0x0: {  	(pc) =	sbr.rel $0x88, $3  }
0x1: {  	(tag) =	ssettag $0x0;
	lr =	simm.s32 $0x1  }
0x2: {  	[smem:$0x3F9B] =	sst lr;
	_ =	strace $0xD0000000  }
0x3: {  	_ = 	snop  }
0x4: {  	_ = 	snop  }
0x5: {  	_ = 	snop  }
0x6: {  	_ = 	snop  }
0x7: {  	_ = 	snop  }
__scs_overlays_trampoline_lowered:
0x8: {  	[smem:$0x3FAA] =	sst s0  }
0x9: {  	[smem:$0x3FAB] =	sst s1  }
0xa: {  	[smem:$0x3FAC] =	sst s2  }
0xb: {  	[smem:$0x3FAD] =	sst s3  }
0xc: {  	[smem:$0x3FAE] =	sst s4  }
0xd: {  	[smem:$0x3FAF] =	sst s5  }
0xe: {  	[smem:$0x3FB0] =	sst s6  }
0xf: {  	[smem:$0x3FB1] =	sst s7  }
0x10: {  	[smem:$0x3FB2] =	sst s8  }
0x11: {  	[smem:$0x3FB3] =	sst s9;
	s0 =	simm.s32 @!p0 $0x0  }
0x12: {  	s1 =	sld [smem:$0x3F99];
	s0 =	simm.s32 @p0 $0x1  }
0x13: {  	[smem:$0x3FB4] =	sst s0;
	s0 =	simm.s32 @!p1 $0x0  }
0x14: {  	s2 =	sld [smem:$0x3F98];
	s0 =	simm.s32 @p1 $0x1  }
0x15: {  	[smem:$0x3FB5] =	sst s0;
	s0 =	simm.s32 @!p2 $0x0  }
0x16: {  	s3 =	sld [smem:$0x3FDB];
	s0 =	simm.s32 @p2 $0x1  }
0x17: {  	s4 =	simm.s32 $0x1BF5;
	[smem:$0x3FB7] =	sst s0  }
0x18: {  	s0 =	sld [smem:$0x3F9A];
	_ =	swait.ge [sflag:s4], $0x0  }
0x19: {  	s7 =	sld [smem:$0x3F9B]  }
0x1a: {  	s8 =	sadd.s32 $0xFFFFE003, lr  }
0x1b: {  	s9 =	sadd.s32 $0xFFFFFEF7, lr;
	s5 =	simm.s32 $0xFFFFFFFF;
	p2 =	slt.u32 s8, $0xFFFFF086  }
0x1c: {  	p1 =	slt.u32 s9, $0xF7A;
	s5 =	simm.s32 @!p2 $0x0  }
0x1d: {  	s5 =	simm.s32 @p1 $0x1;
	p0 =	seq.s32 s7, s2  }
0x1e: {  	s7 =	smul.u32 @!p0 $0xF7A, s2;
	p2 =	seq.s32 @!p0 s5, $0x0  }
0x1f: {  	s9 =	smul.u32 $0xF7A, s1;
	s8 =	simm.s32 @!p0 $0x1BF5;
	p2 =	por !p2, p0  }
0x20: {  	[sflag:s8] =	ssyncset.s32 @!p0 $0xFFFFF086;
	s6 =	sadd.s32 @!p0 s3, s7;
	s7 =	simm.s32 @!p0 $0x108  }
0x21: {  	s3 =	sadd.s32 s3, s9;
	s6 =	sadd.s32 @!p0 $0x88, s6;
	s7 =	simm.s32 @p2 $0x1082  }
0x22: {  	[simem:s7], [sflag:s8] =	dma.local @!p0 [hbm:s6], $0xF7A  }
0x23: {  	s9 =	sor.u32 $0xD0000000, s2;
	s6 =	simm.s32 $0x108;
	_ =	swait.ge @!p0 [sflag:s8], $0x0  }
0x24: {  	s3 =	sadd.s32 $0x88, s3;
	s6 =	simm.s32 @!p1 $0x1082;
	[sflag:s4] =	ssyncset.s32 $0xFFFFF086  }
0x25: {  	[simem:s6], [sflag:s4] =	dma.local [hbm:s3], $0xF7A  }
0x26: {  	[smem:$0x3F9B] =	sst s1;
	(tag) =	ssettag s2;
	_ =	strace s9  }
0x27: {  	s1 =	sld [smem:$0x3FAB]  }
0x28: {  	s2 =	sld [smem:$0x3FAC]  }
0x29: {  	s4 =	sld [smem:$0x3FAE]  }
0x2a: {  	p0 =	seq.s32 s5, $0x0;
	s5 =	sld [smem:$0x3FAF]  }
0x2b: {  	s6 =	sld [smem:$0x3FB0]  }
0x2c: {  	s7 =	sld [smem:$0x3FB1]  }
0x2d: {  	s3 =	simm.s32 $0x108;
	s8 =	sld [smem:$0x3FB2]  }
0x2e: {  	s3 =	simm.s32 @!p0 $0x1082;
	s9 =	sld [smem:$0x3FB3]  }
0x2f: {  	lr =	sadd.s32 s0, s3;
	s0 =	sld [smem:$0x3FAA]  }
0x30: {  	s3 =	sld [smem:$0x3FAD]  }
0x31: {  	[smem:$0x3FB6] =	sst s10  }
0x32: {  	s10 =	sld [smem:$0x3FB4];
	_ =	sdelay $0x3  }
0x33: {  	p0 =	seq.s32 s10, $0x1;
	s10 =	sld [smem:$0x3FB6];
	_ =	sdelay $0x3  }
0x34: {  	[smem:$0x3FB6] =	sst s10  }
0x35: {  	s10 =	sld [smem:$0x3FB5];
	_ =	sdelay $0x3  }
0x36: {  	p1 =	seq.s32 s10, $0x1;
	s10 =	sld [smem:$0x3FB6];
	_ =	sdelay $0x3  }
0x37: {  	[smem:$0x3FB6] =	sst s10  }
0x38: {  	s10 =	sld [smem:$0x3FB7]  }
0x39: {  	_ = 	snop;
	(pc) =	sbr.ind lr, $3  }
0x3a: {  	_ = 	snop  }
0x3b: {  	_ = 	snop  }
0x3c: {  	p2 =	seq.s32 s10, $0x1;
	s10 =	sld [smem:$0x3FB6]  }
0x3d: {  	_ =	shalt  }
0x3e: {  	_ =	shalt  }
0x3f: {  	_ =	shalt  }
0x40: {  	_ =	shalt  }
0x41: {  	_ =	shalt  }
0x42: {  	_ =	shalt  }
0x43: {  	_ =	shalt  }
0x44: {  	_ =	shalt  }
0x45: {  	_ =	shalt  }
0x46: {  	_ =	shalt  }
0x47: {  	_ =	shalt  }
0x48: {  	_ =	shalt  }
0x49: {  	_ =	shalt  }
0x4a: {  	_ =	shalt  }
0x4b: {  	_ =	shalt  }
0x4c: {  	_ =	shalt  }
0x4d: {  	_ =	shalt  }
0x4e: {  	_ =	shalt  }
0x4f: {  	_ =	shalt  }
0x50: {  	_ =	shalt  }
0x51: {  	_ =	shalt  }
0x52: {  	_ =	shalt  }
0x53: {  	_ =	shalt  }
0x54: {  	_ =	shalt  }
0x55: {  	_ =	shalt  }
0x56: {  	_ =	shalt  }
0x57: {  	_ =	shalt  }
0x58: {  	_ =	shalt  }
0x59: {  	_ =	shalt  }
0x5a: {  	_ =	shalt  }
0x5b: {  	_ =	shalt  }
0x5c: {  	_ =	shalt  }
0x5d: {  	_ =	shalt  }
0x5e: {  	_ =	shalt  }
0x5f: {  	_ =	shalt  }
0x60: {  	_ =	shalt  }
0x61: {  	_ =	shalt  }
0x62: {  	_ =	shalt  }
0x63: {  	_ =	shalt  }
0x64: {  	_ =	shalt  }
0x65: {  	_ =	shalt  }
0x66: {  	_ =	shalt  }
0x67: {  	_ =	shalt  }
0x68: {  	_ =	shalt  }
0x69: {  	_ =	shalt  }
0x6a: {  	_ =	shalt  }
0x6b: {  	_ =	shalt  }
0x6c: {  	_ =	shalt  }
0x6d: {  	_ =	shalt  }
0x6e: {  	_ =	shalt  }
0x6f: {  	_ =	shalt  }
0x70: {  	_ =	shalt  }
0x71: {  	_ =	shalt  }
0x72: {  	_ =	shalt  }
0x73: {  	_ =	shalt  }
0x74: {  	_ =	shalt  }
0x75: {  	_ =	shalt  }
0x76: {  	_ =	shalt  }
0x77: {  	_ =	shalt  }
0x78: {  	_ =	shalt  }
0x79: {  	_ =	shalt  }
0x7a: {  	_ =	shalt  }
0x7b: {  	_ =	shalt  }
0x7c: {  	_ =	shalt  }
0x7d: {  	_ =	shalt  }
0x7e: {  	_ =	shalt  }
0x7f: {  	_ =	shalt  }
0x80: {  	_ =	shalt  }
0x81: {  	_ =	shalt  }
0x82: {  	_ =	shalt  }
0x83: {  	_ =	shalt  }
0x84: {  	_ =	shalt  }
0x85: {  	_ =	shalt  }
0x86: {  	_ =	shalt  }
0x87: {  	_ =	shalt  }
.Lfunc_end0:
.L_simem_size_0:
called_computation_lowered:
.L_overlay_start_0:
0x88: {  	s2 =	sld [smem:$0x3FD9]  }
0x89: {  	s3 =	sld [smem:$0x3FFE];
	_ =	sdelay $0x1  }
0x8a: {  	s1 =	srdreg.scid  }
0x8b: {  	s0 =	sand.u32 $0x1, s1  }
0x8c: {  	s17 =	sshll.u32 s0, $0xA;
	s2 =	sadd.s32 s3, s2  }
0x8d: {  	s2 =	sadd.s32 s2, s17  }
0x8e: {  	[smem:$0x3FC2] =	sst s2  }
0x8f: {  	_ = 	snop  }
0x90: {  	s2 =	sld [smem:$0x3FC6]  }
0x91: {  	s18 =	sld [smem:$0x3FD0];
	(tm) =	ssettm $0x1  }
0x92: {  	s4 =	sld [smem:$0x3FFB];
	_ =	sdelay $0x3  }
0x93: {  	_ =	strace s4  }
0x94: {  	s4 =	sld [smem:$0x3FFC];
	_ =	sdelay $0x3  }
0x95: {  	_ =	strace s4  }
0x96: {  	s4 =	sld [smem:$0x3FFD];
	_ =	sdelay $0x3  }
0x97: {  	_ =	strace s4  }
0x98: {  	_ =	strace $0x8FFFFFFF  }
0x99: {  	s19 =	sld [smem:$0x3FDB];
	_ =	sdelay $0x1  }
0x9a: {  	s5 =	simm.s32 $_scs_section_size  }
0x9b: {  	s6 =	simm.s32 $_size__tile_overlayer_lowered;
	s7 =	simm.s32 $_tile_overlayer_lowered  }
0x9c: {  	s22 =	simm.s32 $0x1BFF;
	s21 =	sshll.u32 s7, $0x1;
	s4 =	sadd.s32 s5, s19  }
0x9d: {  	s8 =	simm.s32 $0x0;
	s20 =	sshll.u32 s6, $0x1;
	s6 =	sadd.s32 s21, s4  }
0x9e: {  	[timem:s8], [sflag:s22] =	dma.local [hbm:s6], s20  }
0x9f: {  	_ =	swait.ge [sflag:s22], s20  }
0xa0: {  	s5 =	ssub.s32 $0x0, s20;
	[sflag:s22] =	ssyncset.done $0x0  }
0xa1: {  	[sflag:s22] =	ssyncadd.s32 s5;
	_ =	sdelay $0x1  }
0xa2: {  	s23 =	simm.s32 $0x1B8B  }
0xa3: {  	_ =	swait.ge [sflag:s23], $0x1  }
0xa4: {  	[sflag:s23] =	ssyncset.done $0x0  }
0xa5: {  	s25 =	simm.s32 $0x1B8E;
	s24 =	sld [smem:$0x3FFE];
	[sflag:s23] =	ssyncadd.s32 $0xFFFFFFFF  }
0xa6: {  	s26 =	simm.s32 $execute0_lowered;
	[smem:$0x3FD2] =	sst s25  }
0xa7: {  	s6 =	sshll.u32 s26, $0x1;
	_ =	strace $0x80000046;
	[dreg:$0x1] =	wrdreg $0xFFFFFFFF  }
0xa8: {  	s28 =	simm.s32 $_size_execute0_lowered;
	s4 =	sadd.s32 s4, s6;
	[dreg:$0x0] =	wrdreg $0x0  }
0xa9: {  	s6 =	sshll.u32 s28, $0x1;
	[dreg:$0x2] =	wrdreg s4  }
0xaa: {  	[dreg:$0x3] =	wrdreg s6  }
0xab: {  	[dreg:$0x4] =	wrdreg $0xC0  }
0xac: {  	_ =	task [dreg:s8], $0x5FFFF  }
0xad: {  	[dreg:$0x1] =	wrdreg $0xFFFFFFFF  }
0xae: {  	[dreg:$0x0] =	wrdreg $0x60  }
0xaf: {  	[dreg:$0x2] =	wrdreg s24  }
0xb0: {  	[dreg:$0x3] =	wrdreg s2  }
0xb1: {  	[dreg:$0x4] =	wrdreg s18  }
0xb2: {  	[dreg:$0x5] =	wrdreg $0x9  }
0xb3: {  	_ =	task.clear_ibuf [dreg:s8], $0x6FFFF;
	_ =	strace $0x90000046  }
0xb4: {  	s29 =	simm.s32 $0x9;
	_ =	strace $0x80000048  }
0xb5: {  	_ =	swait.ge [sflag:s29], $0x1  }
0xb6: {  	[sflag:s29] =	ssyncadd.s32 $0xFFFFFFFF  }
0xb7: {  	_ =	strace $0x90000048  }
0xb8: {  	_ =	sfence  }
0xb9: {  	s30 =	sld [smem:$0x0];
	_ =	sdelay $0x2  }
0xba: {  	s31 =	sshll.u32 s1, $0xD;
	s1 =	sshrl.u32 s1, $0x2  }
0xbb: {  	s3 =	sand.u32 $0x4000, s31;
	s1 =	sadd.s32 s1, s30  }
0xbc: {  	s0 =	sor.u32 s3, s0;
	s1 =	sshll.u32 s1, $0x11  }
0xbd: {  	s0 =	sor.u32 s1, s0  }
0xbe: {  	s0 =	sadd.s32 $0x8F2B, s0  }
0xbf: {  	[sflag:s0] =	ssyncadd.remote.s32 $0x1  }
0xc0: {  	_ =	sfence.sel $0xFFFF  }
0xc1: {  	[dreg:$0x0] =	wrdreg $0xFFFFFFFF;
	(pc) =	sbr.abs _section_cstart, $3  }
0xc2: {  	[dreg:$0x1] =	wrdreg $0xFFFFFFFF  }
0xc3: {  	_ =	task.clear_ibuf [dreg:s8], $0x2FFFF;
	_ =	strace $0x9FFFFFFF  }
0xc4: {  	(tm) =	ssettm $0x7FFFFFFF  }
0xc5: {  	_ =	shalt  }
tec
execute0_lowered:
.L_overlay_start_1:
0x0: {  	(tag) =	ssettag $0x1  }
0x1: {  	s1 =	srdreg.scid;
	s6 =	rddreg [dreg:$0x0]  }
0x2: {  	s0 =	stileid.u32;
	s2 =	rddreg [dreg:$0x1]  }
0x3: {  	s9 =	rddreg [dreg:$0x2];
	s3 =	simm.s32 $0x0;
	s14 =	simm.s32 $0x3380  }
0x4: {  	s15 =	simm.s32 $0x3680;
	s7 =	sand.u32 $0x1, s1;
	s31 =	sshll.u32 s0, $0x1  }
0x5: {  	s16 =	simm.s32 $0x3700;
	s17 =	simm.s32 $0x0;
	s8 =	sor.u32 s7, s31  }
0x6: {  	s1 =	rddreg [dreg:$0x3];
	s7 =	ssub.s32 $0x2, s7;
	s4 =	smul.u32 $0x578, s8  }
0x7: {  	[smem:$0x7FF] =	sst s3;
	s5 =	smul.u32 $0xC8, s8;
	s12 =	sshrl.u32 s7, $0x1  }
0x8: {  	_ =	strace $0x80000047;
	s13 =	smul.u32 $0x15E0, s8;
	s12 =	ssub.s32 s7, s12  }
0x9: {  	s10 =	sadd.s32 s4, s6;
	s11 =	sadd.s32 s5, s6;
	s4 =	sadd.s32 $0x600, s6  }
0xa: {  	s5 =	sadd.s32 $0x800, s6;
	s6 =	sadd.s32 $0x400, s6;
	s9 =	sadd.s32 s9, s13  }
0xb: {  	s13 =	simm.s32 $0x3300;
	s7 =	sadd.s32 $0x2400, s10;
	s8 =	sadd.s32 $0xA00, s11  }
0xc: {  	v4 =	vlaneseq.u32;
	s10 =	smax.u32 s12, $0x1;
	s11 =	simm.s32 $0x1;
	s12 =	simm.s32 $0x3280  }
.LBB2_1:
0xd: {  	[tilespmem:s3], [sflag:$0x1] =	stream.linear.gather [hbm4b:s7+s3], $0x2BC0, $0x38;
	[tilespmem:$0xE600] =	vst v63  }
0xe: {  	_ =	swait.ge [sflag:s11], $0x2BC0  }
0xf: {  	[sflag:s11] =	ssyncset.done $0x0  }
0x10: {  	s18 =	simm.s32 $0x2C00;
	[sflag:s11] =	ssyncadd.s32 $0xFFFFD440  }
0x11: {  	[tilespmem:s18], [sflag:$0x1] =	stream.linear.gather [hbm4b:s8+s3], $0x640, $0x38;
	[tilespmem:$0xE600] =	vst v63  }
0x12: {  	_ =	swait.ge [sflag:s11], $0x640  }
0x13: {  	[sflag:s11] =	ssyncset.done $0x0  }
0x14: {  	[sflag:s11] =	ssyncadd.s32 $0xFFFFF9C0  }
0x15: {  	[tilespmem:s12], [sflag:$0x1] =	stream.linear.gather [hbm4b:s4+s3], $0x80, $0x38;
	[tilespmem:$0xE600] =	vst v63  }
0x16: {  	_ =	swait.ge [sflag:s11], $0x80  }
0x17: {  	[sflag:s11] =	ssyncset.done $0x0  }
0x18: {  	[sflag:s11] =	ssyncadd.s32 $0xFFFFFF80  }
0x19: {  	[tilespmem:s13], [sflag:$0x1] =	stream.linear.gather [hbm4b:s2+s3], $0x80, $0x38;
	[tilespmem:$0xE600] =	vst v63  }
0x1a: {  	_ =	swait.ge [sflag:s11], $0x80  }
0x1b: {  	[sflag:s11] =	ssyncset.done $0x0  }
0x1c: {  	[sflag:s11] =	ssyncadd.s32 $0xFFFFFF80  }
0x1d: {  	[tilespmem:s14], [sflag:$0x1] =	stream.linear.gather [hbm4b:s5+s3], $0x300, $0x38;
	[tilespmem:$0xE600] =	vst v63  }
0x1e: {  	_ =	swait.ge [sflag:s11], $0x300  }
0x1f: {  	[sflag:s11] =	ssyncset.done $0x0  }
0x20: {  	[sflag:s11] =	ssyncadd.s32 $0xFFFFFD00  }
0x21: {  	[tilespmem:s15], [sflag:$0x1] =	stream.linear.gather [hbm4b:s6+s3], $0x80, $0x38;
	[tilespmem:$0xE600] =	vst v63  }
0x22: {  	_ =	swait.ge [sflag:s11], $0x80  }
0x23: {  	[sflag:s11] =	ssyncset.done $0x0  }
0x24: {  	[sflag:s11] =	ssyncadd.s32 $0xFFFFFF80  }
0x25: {  	v0 =	vld [tilespmem:$0x3280];
	_ =	sdelay $0x4  }
0x26: {  	v1 =	vbroadcast v0, $0x0  }
0x27: {  	v59 =	vbroadcast v0, $0x1  }
0x28: {  	v60 =	vbroadcast v0, $0x2;
	[tilespmem:$0x1FB90] =	vst v1  }
0x29: {  	v61 =	vbroadcast v0, $0x3;
	[tilespmem:$0x1FBA0] =	vst v59  }
0x2a: {  	v62 =	vbroadcast v0, $0x4;
	[tilespmem:$0x1FBB0] =	vst v60  }
0x2b: {  	v63 =	vbroadcast v0, $0x5;
	[tilespmem:$0x1FBC0] =	vst v61  }
0x2c: {  	v2 =	vbroadcast v0, $0x6;
	[tilespmem:$0x1FBD0] =	vst v62  }
0x2d: {  	v33 =	vbroadcast v0, $0x7;
	[tilespmem:$0x1FBE0] =	vst v63  }
0x2e: {  	v34 =	vbroadcast v0, $0x8;
	[tilespmem:$0x1FBF0] =	vst v2  }
0x2f: {  	v35 =	vbroadcast v0, $0x9;
	[tilespmem:$0x1FC00] =	vst v33  }
0x30: {  	v36 =	vbroadcast v0, $0xA;
	[tilespmem:$0x1FC10] =	vst v34  }
0x31: {  	v32 =	vld [tilespmem:$0x3290];
	v37 =	vbroadcast v0, $0xB;
	[tilespmem:$0x1FC20] =	vst v35  }
0x32: {  	v38 =	vbroadcast v0, $0xC;
	[tilespmem:$0x1FC30] =	vst v36  }
0x33: {  	v39 =	vbroadcast v0, $0xD;
	[tilespmem:$0x1FC40] =	vst v37  }
0x34: {  	v40 =	vbroadcast v0, $0xE;
	[tilespmem:$0x1FC50] =	vst v38  }
0x35: {  	v0 =	vbroadcast v0, $0xF;
	[tilespmem:$0x1FC60] =	vst v39  }
0x36: {  	v41 =	vbroadcast v32, $0x0;
	[tilespmem:$0x1FC70] =	vst v40  }
0x37: {  	v42 =	vbroadcast v32, $0x1;
	[tilespmem:$0x1FC80] =	vst v0  }
0x38: {  	v43 =	vbroadcast v32, $0x2;
	[tilespmem:$0x1FC90] =	vst v41  }
0x39: {  	v44 =	vbroadcast v32, $0x3;
	[tilespmem:$0x1FCA0] =	vst v42  }
0x3a: {  	v45 =	vbroadcast v32, $0x4;
	[tilespmem:$0x1FCB0] =	vst v43  }
0x3b: {  	v46 =	vbroadcast v32, $0x5;
	[tilespmem:$0x1FCC0] =	vst v44  }
0x3c: {  	v48 =	vbroadcast v32, $0x6;
	[tilespmem:$0x1FCD0] =	vst v45  }
0x3d: {  	v49 =	vbroadcast v32, $0x7;
	[tilespmem:$0x1FCE0] =	vst v46  }
0x3e: {  	v50 =	vbroadcast v32, $0x8;
	[tilespmem:$0x1FCF0] =	vst v48  }
0x3f: {  	v51 =	vbroadcast v32, $0x9;
	[tilespmem:$0x1FD00] =	vst v49  }
0x40: {  	v47 =	vld [tilespmem:$0x32A0];
	v52 =	vbroadcast v32, $0xA;
	[tilespmem:$0x1FD10] =	vst v50  }
0x41: {  	v53 =	vbroadcast v32, $0xB;
	[tilespmem:$0x1FD20] =	vst v51  }
0x42: {  	v54 =	vbroadcast v32, $0xC;
	[tilespmem:$0x1FD30] =	vst v52  }
0x43: {  	v55 =	vbroadcast v32, $0xD;
	[tilespmem:$0x1FD40] =	vst v53  }
0x44: {  	v56 =	vbroadcast v32, $0xE;
	[tilespmem:$0x1FD50] =	vst v54  }
0x45: {  	v57 =	vbroadcast v47, $0x0;
	[tilespmem:$0x1FD60] =	vst v55  }
0x46: {  	v58 =	vbroadcast v47, $0x1;
	[tilespmem:$0x1FD70] =	vst v56  }
0x47: {  	v1 =	vbroadcast v32, $0xF;
	[tilespmem:$0x1FD90] =	vst v57  }
0x48: {  	[tilespmem:$0x1FDA0] =	vst v58;
	v59 =	vbroadcast v47, $0x2  }
0x49: {  	v60 =	vbroadcast v47, $0x3;
	[tilespmem:$0x1FD80] =	vst v1  }
0x4a: {  	v61 =	vbroadcast v47, $0x4;
	[tilespmem:$0x1FDB0] =	vst v59  }
0x4b: {  	v62 =	vbroadcast v47, $0x5;
	[tilespmem:$0x1FDC0] =	vst v60  }
0x4c: {  	v32 =	vbroadcast v47, $0x6;
	[tilespmem:$0x1FDD0] =	vst v61  }
0x4d: {  	v33 =	vbroadcast v47, $0x7;
	[tilespmem:$0x1FDE0] =	vst v62  }
0x4e: {  	v34 =	vbroadcast v47, $0x8;
	[tilespmem:$0x1FDF0] =	vst v32  }
0x4f: {  	v35 =	vbroadcast v47, $0x9;
	[tilespmem:$0x1FE00] =	vst v33  }
0x50: {  	v36 =	vbroadcast v47, $0xA;
	[tilespmem:$0x1FE10] =	vst v34  }
0x51: {  	v16 =	vld [tilespmem:$0x32C0];
	v37 =	vbroadcast v47, $0xB;
	[tilespmem:$0x1FE20] =	vst v35  }
0x52: {  	v38 =	vbroadcast v47, $0xC;
	[tilespmem:$0x1FE30] =	vst v36  }
0x53: {  	v39 =	vbroadcast v47, $0xD;
	[tilespmem:$0x1FE40] =	vst v37  }
0x54: {  	v40 =	vbroadcast v47, $0xE;
	[tilespmem:$0x1FE50] =	vst v38  }
0x55: {  	v0 =	vbroadcast v47, $0xF;
	[tilespmem:$0x1FE60] =	vst v39  }
0x56: {  	v57 =	vbroadcast v16, $0x0;
	[tilespmem:$0x1FE70] =	vst v40  }
0x57: {  	v63 =	vld [tilespmem:$0x32B0];
	v58 =	vbroadcast v16, $0x1;
	[tilespmem:$0x1FE80] =	vst v0  }
0x58: {  	v8 =	vbroadcast v16, $0x7;
	[tilespmem:$0x1FF90] =	vst v57;
	v59 =	vbroadcast v16, $0x2  }
0x59: {  	v9 =	vbroadcast v16, $0x8;
	[tilespmem:$0x1FFA0] =	vst v58;
	v60 =	vbroadcast v16, $0x3  }
0x5a: {  	v10 =	vbroadcast v16, $0x9;
	v61 =	vbroadcast v16, $0x4;
	[tilespmem:$0x1FFB0] =	vst v59  }
0x5b: {  	v11 =	vbroadcast v16, $0xA;
	v62 =	vbroadcast v16, $0x5;
	[tilespmem:$0x1FFC0] =	vst v60  }
0x5c: {  	v12 =	vbroadcast v16, $0xB;
	[tilespmem:$0x1FFD0] =	vst v61;
	v41 =	vbroadcast v63, $0x0  }
0x5d: {  	v13 =	vbroadcast v16, $0xC;
	[tilespmem:$0x1FFE0] =	vst v62;
	v42 =	vbroadcast v63, $0x1  }
0x5e: {  	v14 =	vbroadcast v16, $0xD;
	v43 =	vbroadcast v63, $0x2;
	[tilespmem:$0x1FE90] =	vst v41  }
0x5f: {  	v15 =	vbroadcast v16, $0xE;
	v44 =	vbroadcast v63, $0x3;
	[tilespmem:$0x1FEA0] =	vst v42  }
0x60: {  	v45 =	vbroadcast v63, $0x4;
	v46 =	vbroadcast v63, $0x5;
	[tilespmem:$0x1FEB0] =	vst v43  }
0x61: {  	v47 =	vbroadcast v63, $0x6;
	v48 =	vbroadcast v63, $0x7;
	[tilespmem:$0x1FEC0] =	vst v44  }
0x62: {  	v32 =	vld [tilespmem:$0x3300];
	v49 =	vbroadcast v63, $0x8;
	v50 =	vbroadcast v63, $0x9;
	[tilespmem:$0x1FED0] =	vst v45  }
0x63: {  	v51 =	vbroadcast v63, $0xA;
	v52 =	vbroadcast v63, $0xB;
	[tilespmem:$0x1FEE0] =	vst v46  }
0x64: {  	v53 =	vbroadcast v63, $0xC;
	v54 =	vbroadcast v63, $0xD;
	[tilespmem:$0x1FEF0] =	vst v47  }
0x65: {  	v55 =	vbroadcast v63, $0xE;
	v56 =	vbroadcast v63, $0xF;
	[tilespmem:$0x1FF00] =	vst v48  }
0x66: {  	v63 =	vbroadcast v16, $0x6;
	v16 =	vbroadcast v16, $0xF;
	[tilespmem:$0x1FF10] =	vst v49  }
0x67: {  	[tilespmem:$0x1FF20] =	vst v50;
	v17 =	vbroadcast v32, $0x0;
	v18 =	vbroadcast v32, $0x1  }
0x68: {  	[tilespmem:$0x1FF30] =	vst v51;
	v19 =	vbroadcast v32, $0x2;
	v20 =	vbroadcast v32, $0x3  }
0x69: {  	[tilespmem:$0x1FF40] =	vst v52;
	v21 =	vbroadcast v32, $0x4;
	v22 =	vbroadcast v32, $0x5  }
0x6a: {  	[tilespmem:$0x1FF50] =	vst v53;
	v23 =	vbroadcast v32, $0x6;
	v24 =	vbroadcast v32, $0x7  }
0x6b: {  	[tilespmem:$0x1FF60] =	vst v54;
	v25 =	vbroadcast v32, $0x8;
	v26 =	vbroadcast v32, $0x9  }
0x6c: {  	[tilespmem:$0x1FF70] =	vst v55;
	v27 =	vbroadcast v32, $0xA;
	v28 =	vbroadcast v32, $0xB  }
0x6d: {  	[tilespmem:$0x1FF80] =	vst v56;
	v29 =	vbroadcast v32, $0xC;
	v30 =	vbroadcast v32, $0xD  }
0x6e: {  	s19 =	simm.s32 $0x1B;
	s20 =	simm.s32 $0x6;
	[tilespmem:$0x1FFF0] =	vst v63;
	v31 =	vbroadcast v32, $0xE;
	v32 =	vbroadcast v32, $0xF  }
.LBB2_2:
0x6f: {  	v33 =	vld [tilespmem:s18+$0x0]  }
0x70: {  	v0 =	vld [tilespmem:$0x1FB90]  }
0x71: {  	v34 =	vmul.u32 $0x7, v4;
	v50 =	vld [tilespmem:$0x1FBA0]  }
0x72: {  	s21 =	sadd.s32 $0xFFFFFFFA, s20;
	v51 =	vld [tilespmem:$0x1FBE0]  }
0x73: {  	s26 =	sadd.s32 $0xFFFFFFFB, s20;
	v52 =	vld [tilespmem:$0x1FBF0];
	v35 =	vadd.s32 s21, v34  }
0x74: {  	s28 =	sadd.s32 $0xFFFFFFFC, s20;
	v54 =	vld [tilespmem:$0x1FBB0];
	v36 =	vadd.s32 s26, v34  }
0x75: {  	s29 =	sadd.s32 $0xFFFFFFFD, s20;
	v57 =	vld [tilespmem:$0x1FC00];
	v37 =	vadd.s32 s28, v34  }
0x76: {  	s30 =	sadd.s32 $0xFFFFFFFE, s20;
	v60 =	vld [tilespmem:$0x1FBC0];
	v38 =	vadd.s32 s29, v34  }
0x77: {  	v62 =	vld [tilespmem:$0x1FBD0];
	v39 =	vadd.s32 s30, v34  }
0x78: {  	s31 =	sadd.s32 $0xFFFFFFFF, s20;
	v35 =	vld.idx.msk [tilespmem:v35+s3+$0x0], $0xffff  }
0x79: {  	v41 =	vadd.s32 s31, v34;
	v36 =	vld.idx.msk [tilespmem:v36+s3+$0x0], $0xffff  }
0x7a: {  	v34 =	vadd.s32 s20, v34;
	v40 =	vld.idx.msk [tilespmem:v37+s3+$0x0], $0xffff  }
0x7b: {  	v42 =	vld.idx.msk [tilespmem:v38+s3+$0x0], $0xffff  }
0x7c: {  	v39 =	vld.idx.msk [tilespmem:v39+s3+$0x0], $0xffff  }
0x7d: {  	v46 =	vld [tilespmem:$0x1FC10]  }
0x7e: {  	v48 =	vld.idx.msk [tilespmem:v41+s3+$0x0], $0xffff;
	v37 =	vmul.f32 v35, v33  }
0x7f: {  	v53 =	vld.idx.msk [tilespmem:v34+s3+$0x0], $0xffff;
	v38 =	vmul.f32 v36, v33;
	v36 =	vmul.f32 v40, v33  }
0x80: {  	v35 =	vmul.f32 v42, v33;
	v44 =	vmul.f32 v37, v51;
	v51 =	vld [tilespmem:$0x1FC40]  }
0x81: {  	v34 =	vmul.f32 v39, v33;
	v45 =	vmul.f32 v38, v52;
	v52 =	vld [tilespmem:$0x1FC20]  }
0x82: {  	v49 =	vmul.f32 v37, v0;
	v55 =	vmul.f32 v36, v54;
	v54 =	vld [tilespmem:$0x1FC50]  }
0x83: {  	v43 =	vmul.f32 v38, v50;
	v61 =	vmul.f32 v35, v60;
	v60 =	vld [tilespmem:$0x1FC60]  }
0x84: {  	v58 =	vmul.f32 v36, v57;
	v63 =	vmul.f32 v34, v62;
	v62 =	vld [tilespmem:$0x1FCA0];
	v56 =	vadd.f32 v45, v44  }
0x85: {  	v41 =	vadd.f32 v43, v49;
	v49 =	vld [tilespmem:$0x1FC30]  }
0x86: {  	v39 =	vadd.f32 v58, v56;
	v56 =	vld [tilespmem:$0x1FC80]  }
0x87: {  	v47 =	vmul.f32 v48, v33;
	v48 =	vmul.f32 v35, v46;
	v58 =	vld [tilespmem:$0x1FC90]  }
0x88: {  	v45 =	vmul.f32 v53, v33;
	v53 =	vmul.f32 v34, v52;
	v52 =	vld [tilespmem:$0x1FCD0]  }
0x89: {  	v59 =	vadd.f32 v55, v41;
	v55 =	vmul.f32 v36, v54;
	v54 =	vld [tilespmem:$0x1FCE0]  }
0x8a: {  	v46 =	vmul.f32 v38, v51;
	v39 =	vadd.f32 v48, v39;
	v48 =	vld [tilespmem:$0x1FC70];
	v50 =	vmul.f32 v37, v49  }
0x8b: {  	v40 =	vadd.f32 v61, v59;
	v61 =	vmul.f32 v35, v60;
	v60 =	vld [tilespmem:$0x1FCF0]  }
0x8c: {  	v41 =	vadd.f32 v46, v50;
	v50 =	vld [tilespmem:$0x1FCB0]  }
0x8d: {  	v57 =	vmul.f32 v37, v56;
	v59 =	vmul.f32 v38, v58;
	v56 =	vld [tilespmem:$0x1FD20]  }
0x8e: {  	v40 =	vadd.f32 v63, v40;
	v58 =	vld [tilespmem:$0x1FD30]  }
0x8f: {  	v63 =	vmul.f32 v36, v62;
	v41 =	vadd.f32 v55, v41;
	v42 =	vadd.f32 v59, v57  }
0x90: {  	v39 =	vadd.f32 v53, v39;
	v62 =	vld [tilespmem:$0x1FD40];
	v53 =	vmul.f32 v37, v52;
	v55 =	vmul.f32 v38, v54  }
0x91: {  	v49 =	vmul.f32 v34, v48;
	v59 =	vld [tilespmem:$0x1FCC0];
	v41 =	vadd.f32 v61, v41;
	v42 =	vadd.f32 v63, v42  }
0x92: {  	v43 =	vadd.f32 v55, v53;
	v61 =	vmul.f32 v36, v60;
	v55 =	vld [tilespmem:$0x1FD50];
	v51 =	vmul.f32 v35, v50  }
0x93: {  	v60 =	vld [tilespmem:$0x1FD60];
	v57 =	vmul.f32 v37, v56;
	v48 =	vmul.f32 v38, v58  }
0x94: {  	v42 =	vadd.f32 v51, v42;
	v51 =	vld [tilespmem:$0x1FD00]  }
0x95: {  	v44 =	vadd.f32 v48, v57;
	v57 =	vld [tilespmem:$0x1FD70]  }
0x96: {  	v63 =	vmul.f32 v36, v62;
	v41 =	vadd.f32 v49, v41;
	v49 =	vmul.f32 v34, v59;
	v59 =	vld [tilespmem:$0x1FD80]  }
0x97: {  	v53 =	vld [tilespmem:$0x1FD10]  }
0x98: {  	v43 =	vadd.f32 v61, v43;
	v61 =	vld [tilespmem:$0x1FD90];
	v44 =	vadd.f32 v63, v44;
	v56 =	vmul.f32 v35, v55;
	_ =	sdelay $0x1  }
0x99: {  	v48 =	vadd.f32 v56, v44;
	v56 =	vld [tilespmem:$0x1FDD0];
	v52 =	vmul.f32 v35, v51;
	v58 =	vmul.f32 v37, v57  }
0x9a: {  	v50 =	vmul.f32 v38, v59;
	v51 =	vmul.f32 v34, v60;
	v60 =	vld [tilespmem:$0x1FDE0]  }
0x9b: {  	v54 =	vmul.f32 v34, v53;
	v43 =	vadd.f32 v52, v43;
	v52 =	vld [tilespmem:$0x1FDA0]  }
0x9c: {  	v62 =	vmul.f32 v36, v61;
	v46 =	vadd.f32 v50, v58;
	v58 =	vld [tilespmem:$0x1FDB0]  }
0x9d: {  	v43 =	vadd.f32 v54, v43;
	v54 =	vld [tilespmem:$0x1FDC0]  }
0x9e: {  	v42 =	vadd.f32 v49, v42;
	v46 =	vadd.f32 v62, v46;
	v62 =	vld [tilespmem:$0x1FE10]  }
0x9f: {  	v61 =	vmul.f32 v36, v60;
	v60 =	vld [tilespmem:$0x1FE70]  }
0xa0: {  	v41 =	vadd.f32 v41, v19;
	v42 =	vadd.f32 v42, v20;
	v57 =	vmul.f32 v38, v56;
	v56 =	vld [tilespmem:$0x1FE20]  }
0xa1: {  	v63 =	vadd.f32 v51, v48;
	v59 =	vmul.f32 v34, v58;
	v58 =	vld [tilespmem:$0x1FE60]  }
0xa2: {  	v44 =	vmax.f32 v41, $0.0e+00;
	v41 =	vmax.f32 v42, $0.0e+00;
	v53 =	vmul.f32 v35, v52  }
0xa3: {  	v42 =	vadd.f32 v63, v22;
	v55 =	vmul.f32 v37, v54;
	v63 =	vmul.f32 v37, v62;
	v62 =	vld [tilespmem:$0x1FE30]  }
0xa4: {  	v46 =	vadd.f32 v53, v46;
	v52 =	vmul.f32 v38, v60;
	v60 =	vld [tilespmem:$0x1FE40]  }
0xa5: {  	v49 =	vadd.f32 v57, v55;
	v57 =	vmul.f32 v38, v56;
	v56 =	vld [tilespmem:$0x1FE80]  }
0xa6: {  	v46 =	vadd.f32 v59, v46;
	v59 =	vmul.f32 v37, v58;
	v58 =	vld [tilespmem:$0x1FE00]  }
0xa7: {  	v49 =	vadd.f32 v61, v49;
	v61 =	vld [tilespmem:$0x1FDF0]  }
0xa8: {  	v48 =	vadd.f32 v57, v63;
	v63 =	vmul.f32 v36, v62;
	v62 =	vld [tilespmem:$0x1FE90];
	_ =	sdelay $0x2  }
0xa9: {  	v50 =	vadd.f32 v52, v59;
	v57 =	vmul.f32 v36, v56;
	v59 =	vmul.f32 v34, v58  }
0xaa: {  	v48 =	vadd.f32 v63, v48;
	v58 =	vld [tilespmem:$0x1FEC0];
	v53 =	vmul.f32 v35, v61;
	v61 =	vmul.f32 v35, v60  }
0xab: {  	v56 =	vld [tilespmem:$0x1FEB0];
	v50 =	vadd.f32 v57, v50;
	v63 =	vmul.f32 v35, v62  }
0xac: {  	v49 =	vadd.f32 v53, v49;
	v48 =	vadd.f32 v61, v48;
	v61 =	vld [tilespmem:$0x1FEA0]  }
0xad: {  	v50 =	vadd.f32 v63, v50;
	v63 =	vld [tilespmem:$0x1FED0]  }
0xae: {  	v49 =	vadd.f32 v59, v49;
	v59 =	vld [tilespmem:$0x1FE50]  }
0xaf: {  	v54 =	vmul.f32 v38, v58;
	v58 =	vld [tilespmem:$0x1FEE0]  }
0xb0: {  	v57 =	vmul.f32 v37, v56;
	_ =	sdelay $0x1  }
0xb1: {  	v53 =	vadd.f32 v54, v57;
	v62 =	vmul.f32 v34, v61;
	v2 =	vmul.f32 v36, v63  }
0xb2: {  	v60 =	vmul.f32 v34, v59  }
0xb3: {  	v50 =	vadd.f32 v62, v50;
	v59 =	vmul.f32 v35, v58;
	v62 =	vld [tilespmem:$0x1FF10];
	v57 =	vadd.f32 v2, v53  }
0xb4: {  	v48 =	vadd.f32 v60, v48;
	v60 =	vld [tilespmem:$0x1FF00]  }
0xb5: {  	v51 =	vadd.f32 v59, v57;
	v57 =	vld [tilespmem:$0x1FEF0];
	_ =	sdelay $0x1  }
0xb6: {  	v59 =	vld [tilespmem:$0x1FF20];
	_ =	sdelay $0x1  }
0xb7: {  	v63 =	vmul.f32 v38, v62  }
0xb8: {  	v62 =	vld [tilespmem:$0x1FF30];
	v61 =	vmul.f32 v37, v60;
	v58 =	vmul.f32 v34, v57  }
0xb9: {  	v50 =	vadd.f32 v50, v26;
	v48 =	vadd.f32 v48, v25  }
0xba: {  	v60 =	vmul.f32 v36, v59;
	v59 =	vld [tilespmem:$0x1FF50];
	v53 =	vadd.f32 v63, v61;
	v61 =	vadd.f32 v58, v51  }
0xbb: {  	v58 =	vld [tilespmem:$0x1FF40]  }
0xbc: {  	v55 =	vmax.f32 v48, $0.0e+00;
	v48 =	vmax.f32 v50, $0.0e+00;
	v50 =	vadd.f32 v61, v27;
	v61 =	vld [tilespmem:$0x1FF60]  }
0xbd: {  	v63 =	vmul.f32 v35, v62;
	v62 =	vld [tilespmem:$0x1FFA0];
	_ =	sdelay $0x1  }
0xbe: {  	v51 =	vadd.f32 v60, v53  }
0xbf: {  	v45 =	vtrunc.f32 v45;
	v60 =	vmul.f32 v37, v59;
	v59 =	vld [tilespmem:$0x1FFB0]  }
0xc0: {  	v51 =	vadd.f32 v63, v51;
	v53 =	vmul.f32 v34, v58;
	v56 =	vmul.f32 v38, v61  }
0xc1: {  	vm15 =	vge.f32 v33, $5.000000000e-01;
	v45 =	vcvt.f32.s32 v45;
	v63 =	vmul.f32 v37, v62;
	v62 =	vld [tilespmem:$0x1FFC0]  }
0xc2: {  	v47 =	vtrunc.f32 v47;
	v51 =	vadd.f32 v53, v51;
	v53 =	vadd.f32 v56, v60;
	v60 =	vld [tilespmem:$0x1FF70]  }
0xc3: {  	v6 =	vnsel vm15, $0x0, v33;
	v47 =	vcvt.f32.s32 v47;
	vm14 =	vgt.s32 v45, $0x0  }
0xc4: {  	v0 =	vmul.f32 v38, v8;
	v45 =	vnsel vm14, $0x0, v45;
	v57 =	vmul.f32 v38, v59;
	v59 =	vld [tilespmem:$0x1FF80]  }
0xc5: {  	vm0 =	vgt.s32 v47, $0x0;
	v45 =	vmin.u32 v45, $0x5;
	v40 =	vadd.f32 v40, v17  }
0xc6: {  	v39 =	vadd.f32 v39, v18;
	v52 =	vadd.f32 v57, v63;
	v63 =	vmul.f32 v36, v62;
	v62 =	vld [tilespmem:$0x1FFD0]  }
0xc7: {  	v1 =	vshll.u32 v45, $0x2;
	v45 =	vmul.u32 $0x1C, v4;
	v61 =	vmul.f32 v36, v60  }
0xc8: {  	v3 =	vor.u32 $0x2, v1;
	v4 =	vor.u32 $0x3, v1;
	v40 =	vmax.f32 v40, $0.0e+00  }
0xc9: {  	s22 =	sadd.s32 $0xFFFFFFE5, s19;
	v60 =	vmul.f32 v35, v59;
	v59 =	vld [tilespmem:$0x1FF90];
	v53 =	vadd.f32 v61, v53;
	v61 =	vnsel vm0, $0x0, v47  }
0xca: {  	v39 =	vmax.f32 v39, $0.0e+00;
	v5 =	vadd.s32 s22, v45;
	v57 =	vmin.u32 v61, $0x5E  }
0xcb: {  	s24 =	sadd.s32 $0xFFFFFFE7, s19;
	v52 =	vadd.f32 v63, v52;
	v63 =	vmul.f32 v35, v62;
	v61 =	vld [tilespmem:$0x1FFE0];
	v57 =	vshll.u32 v57, $0x3  }
0xcc: {  	v7 =	vadd.s32 s24, v45;
	v43 =	vadd.f32 v43, v21;
	v58 =	vor.u32 $0x1, v57  }
0xcd: {  	v42 =	vmax.f32 v42, $0.0e+00;
	v52 =	vadd.f32 v63, v52;
	v63 =	vld [tilespmem:$0x1FFF0];
	v54 =	vor.u32 $0x2, v57  }
0xce: {  	v53 =	vadd.f32 v60, v53;
	v60 =	vmul.f32 v34, v59;
	v56 =	vor.u32 $0x3, v57  }
0xcf: {  	v4 =	vld.idx.msk [tilespmem:v4+s15+$0x0], $0xffff;
	v46 =	vadd.f32 v46, v23;
	v49 =	vadd.f32 v49, v24;
	v59 =	vor.u32 $0x4, v57  }
0xd0: {  	v43 =	vmax.f32 v43, $0.0e+00;
	v53 =	vadd.f32 v60, v53;
	v62 =	vmul.f32 v34, v61;
	v60 =	vld.idx.msk [tilespmem:v57+s14+$0x0], $0xffff  }
0xd1: {  	v46 =	vmax.f32 v46, $0.0e+00;
	v49 =	vmax.f32 v49, $0.0e+00;
	v61 =	vor.u32 $0x5, v57;
	v58 =	vld.idx.msk [tilespmem:v58+s14+$0x0], $0xffff  }
0xd2: {  	v52 =	vadd.f32 v62, v52;
	v62 =	vmul.f32 v37, v63;
	v63 =	vor.u32 $0x6, v57;
	v54 =	vld.idx.msk [tilespmem:v54+s14+$0x0], $0xffff  }
0xd3: {  	v49 =	vmul.f32 v49, v6;
	v2 =	vmul.f32 v36, v9;
	v57 =	vor.u32 $0x7, v57;
	v56 =	vld.idx.msk [tilespmem:v56+s14+$0x0], $0xffff  }
0xd4: {  	v38 =	vmul.f32 v38, v13;
	v51 =	vadd.f32 v51, v28;
	v59 =	vld.idx.msk [tilespmem:v59+s14+$0x0], $0xffff;
	v37 =	vmul.f32 v37, v12  }
0xd5: {  	v50 =	vmax.f32 v50, $0.0e+00;
	v0 =	vadd.f32 v0, v62;
	v62 =	vor.u32 $0x1, v1;
	v1 =	vld.idx.msk [tilespmem:v1+s15+$0x0], $0xffff  }
0xd6: {  	s23 =	sadd.s32 $0xFFFFFFE6, s19;
	v51 =	vmax.f32 v51, $0.0e+00;
	v53 =	vadd.f32 v53, v29;
	v37 =	vadd.f32 v38, v37;
	v61 =	vld.idx.msk [tilespmem:v61+s14+$0x0], $0xffff  }
0xd7: {  	v38 =	vadd.s32 s23, v45;
	v0 =	vadd.f32 v2, v0;
	v2 =	vmul.f32 v35, v10;
	v63 =	vld.idx.msk [tilespmem:v63+s14+$0x0], $0xffff  }
0xd8: {  	s25 =	sadd.s32 $0xFFFFFFE8, s19;
	v36 =	vmul.f32 v36, v14;
	v53 =	vmax.f32 v53, $0.0e+00;
	v52 =	vadd.f32 v52, v30;
	v57 =	vld.idx.msk [tilespmem:v57+s14+$0x0], $0xffff  }
0xd9: {  	s26 =	sadd.s32 $0xFFFFFFE9, s19;
	v0 =	vadd.f32 v2, v0;
	v2 =	vld.idx.msk [tilespmem:v3+s15+$0x0], $0xffff;
	v3 =	vmul.f32 v40, v6;
	v40 =	vadd.s32 s25, v45  }
0xda: {  	s28 =	sadd.s32 $0xFFFFFFEA, s19;
	v36 =	vadd.f32 v36, v37;
	v37 =	vmul.f32 v39, v6;
	v39 =	vadd.s32 s26, v45;
	v62 =	vld.idx.msk [tilespmem:v62+s15+$0x0], $0xffff  }
0xdb: {  	s29 =	sadd.s32 $0xFFFFFFEB, s19;
	[tilespmem:v5+s16+$0x0] =	vst.idx.msk $0xffff, v3;
	v3 =	vmul.f32 v35, v15;
	v5 =	vmul.f32 v44, v6;
	v35 =	vadd.s32 s28, v45  }
0xdc: {  	s30 =	sadd.s32 $0xFFFFFFEC, s19;
	v44 =	vmul.f32 v41, v6;
	v41 =	vadd.s32 s29, v45;
	[tilespmem:v38+s16+$0x0] =	vst.idx.msk $0xffff, v37;
	v37 =	vmul.f32 v34, v11  }
0xdd: {  	s31 =	sadd.s32 $0xFFFFFFED, s19;
	v34 =	vmul.f32 v34, v16;
	[tilespmem:v7+s16+$0x0] =	vst.idx.msk $0xffff, v5;
	v5 =	vmul.f32 v43, v6;
	v7 =	vadd.s32 s30, v45  }
0xde: {  	s22 =	sadd.s32 $0xFFFFFFEE, s19;
	v3 =	vadd.f32 v3, v36;
	v43 =	vmul.f32 v42, v6;
	[tilespmem:v40+s16+$0x0] =	vst.idx.msk $0xffff, v44;
	v44 =	vadd.s32 s31, v45  }
0xdf: {  	s23 =	sadd.s32 $0xFFFFFFEF, s19;
	v0 =	vadd.f32 v37, v0;
	[tilespmem:v39+s16+$0x0] =	vst.idx.msk $0xffff, v5;
	v5 =	vmul.f32 v46, v6;
	v46 =	vadd.s32 s22, v45  }
0xe0: {  	s24 =	sadd.s32 $0xFFFFFFF0, s19;
	v52 =	vmax.f32 v52, $0.0e+00;
	v40 =	vadd.s32 s23, v45;
	v3 =	vadd.f32 v34, v3;
	[tilespmem:v35+s16+$0x0] =	vst.idx.msk $0xffff, v43  }
0xe1: {  	s25 =	sadd.s32 $0xFFFFFFF1, s19;
	v42 =	vadd.s32 s24, v45;
	v0 =	vadd.f32 v0, v31;
	[tilespmem:v41+s16+$0x0] =	vst.idx.msk $0xffff, v5;
	v5 =	vmul.f32 v55, v6  }
0xe2: {  	s26 =	sadd.s32 $0xFFFFFFF2, s19;
	v43 =	vadd.s32 s25, v45;
	v3 =	vadd.f32 v3, v32;
	[tilespmem:v7+s16+$0x0] =	vst.idx.msk $0xffff, v49;
	v7 =	vmul.f32 v48, v6  }
0xe3: {  	s28 =	sadd.s32 $0xFFFFFFF3, s19;
	s29 =	sadd.s32 $0xFFFFFFF4, s19;
	v0 =	vmax.f32 v0, $0.0e+00;
	[tilespmem:v44+s16+$0x0] =	vst.idx.msk $0xffff, v5;
	v5 =	vmul.f32 v50, v6;
	v44 =	vadd.s32 s26, v45  }
0xe4: {  	s31 =	sadd.s32 $0xFFFFFFF6, s19;
	v48 =	vadd.s32 s29, v45;
	[tilespmem:v46+s16+$0x0] =	vst.idx.msk $0xffff, v7;
	v7 =	vmul.f32 v51, v6;
	v46 =	vadd.s32 s28, v45  }
0xe5: {  	s30 =	sadd.s32 $0xFFFFFFF5, s19;
	v49 =	vadd.s32 s31, v45;
	[tilespmem:v40+s16+$0x0] =	vst.idx.msk $0xffff, v5;
	v5 =	vadd.s32 $0xFFFFFFFF, v47;
	v47 =	vmul.f32 v53, v6  }
0xe6: {  	[tilespmem:v42+s16+$0x0] =	vst.idx.msk $0xffff, v7;
	vm1 =	vlt.u32 v5, $0x5E;
	v5 =	vmul.f32 v52, v6;
	v7 =	vadd.s32 s30, v45  }
0xe7: {  	s22 =	sadd.s32 $0xFFFFFFF7, s19;
	v3 =	vmax.f32 v3, $0.0e+00;
	v0 =	vmul.f32 v0, v6;
	[tilespmem:v43+s16+$0x0] =	vst.idx.msk $0xffff, v47;
	vm0 =	vmand vm15, vm1  }
0xe8: {  	s23 =	sadd.s32 $0xFFFFFFF8, s19;
	v3 =	vmul.f32 v3, v6;
	v6 =	vadd.s32 s22, v45;
	[tilespmem:v44+s16+$0x0] =	vst.idx.msk $0xffff, v5;
	v5 =	vnsel vm0, $0x0, v33  }
0xe9: {  	s24 =	sadd.s32 $0xFFFFFFF9, s19;
	v51 =	vadd.s32 s23, v45;
	[tilespmem:v46+s16+$0x0] =	vst.idx.msk $0xffff, v0;
	v50 =	vmul.f32 v5, v60  }
0xea: {  	s25 =	sadd.s32 $0xFFFFFFFA, s19;
	v52 =	vadd.s32 s24, v45;
	[tilespmem:v48+s16+$0x0] =	vst.idx.msk $0xffff, v3;
	v3 =	vmul.f32 v5, v58  }
0xeb: {  	s26 =	sadd.s32 $0xFFFFFFFB, s19;
	v53 =	vmul.f32 v5, v54;
	[tilespmem:v7+s16+$0x0] =	vst.idx.msk $0xffff, v50;
	v7 =	vadd.s32 s25, v45  }
0xec: {  	s28 =	sadd.s32 $0xFFFFFFFC, s19;
	v54 =	vadd.s32 s26, v45;
	[tilespmem:v49+s16+$0x0] =	vst.idx.msk $0xffff, v3;
	v3 =	vmul.f32 v5, v56  }
0xed: {  	s29 =	sadd.s32 $0xFFFFFFFD, s19;
	v55 =	vmul.f32 v5, v59;
	[tilespmem:v6+s16+$0x0] =	vst.idx.msk $0xffff, v53;
	v6 =	vadd.s32 s28, v45  }
0xee: {  	s30 =	sadd.s32 $0xFFFFFFFE, s19;
	v56 =	vadd.s32 s29, v45;
	[tilespmem:v51+s16+$0x0] =	vst.idx.msk $0xffff, v3;
	v3 =	vmul.f32 v61, v5  }
0xef: {  	s31 =	sadd.s32 $0xFFFFFFFF, s19;
	v59 =	vadd.s32 s30, v45;
	v58 =	vmul.f32 v63, v5;
	[tilespmem:v52+s16+$0x0] =	vst.idx.msk $0xffff, v55  }
0xf0: {  	[tilespmem:v7+s16+$0x0] =	vst.idx.msk $0xffff, v3;
	v3 =	vmul.f32 v57, v5;
	v7 =	vadd.s32 s31, v45  }
0xf1: {  	p0 =	sne.s32 s19, $0xAD5B;
	v60 =	vmul.f32 v1, v5;
	v61 =	vadd.s32 s19, v45;
	[tilespmem:v54+s16+$0x0] =	vst.idx.msk $0xffff, v58  }
.Ltmp0:
0xf2: {  	[tilespmem:v6+s16+$0x0] =	vst.idx.msk $0xffff, v3;
	v3 =	vmul.f32 v62, v5;
	(pc) =	sbr.rel @p0 .LBB2_2-.Ltmp0, $4  }
0xf3: {  	v62 =	vmul.f32 v2, v5;
	[tilespmem:v56+s16+$0x0] =	vst.idx.msk $0xffff, v60  }
0xf4: {  	v63 =	vmul.f32 v4, v5;
	[tilespmem:v59+s16+$0x0] =	vst.idx.msk $0xffff, v3  }
0xf5: {  	[tilespmem:v7+s16+$0x0] =	vst.idx.msk $0xffff, v62  }
0xf6: {  	s18 =	sadd.s32 $0x10, s18;
	s20 =	sadd.s32 $0x70, s20;
	v4 =	vlaneseq.u32;
	s19 =	sadd.s32 $0x1C0, s19;
	[tilespmem:v61+s16+$0x0] =	vst.idx.msk $0xffff, v63  }
0xf7: {  	s17 =	sadd.s32 $0x1, s17  }
0xf8: {  	p0 =	sne.s32 s17, s10  }
.Ltmp1:
0xf9: {  	_ = 	snop;
	(pc) =	sbr.rel @p0 .LBB2_1-.Ltmp1, $4  }
0xfa: {  	[hbm4b:s9+s3] =	stream.linear.scatter [tilespmem:s16], [sflag:$0x1], $0xAF00, $0x38;
	[tilespmem:$0xE600] =	vst v63  }
0xfb: {  	_ =	swait.ge [sflag:s11], $0xAF00  }
0xfc: {  	[sflag:s11] =	ssyncset.done $0x0  }
0xfd: {  	[sflag:s11] =	ssyncadd.s32 $0xFFFF5100  }
0xfe: {  	_ =	sfence.sel $0x180000  }
0xff: {  	[bflag:$0x0] =	sbarrier.arrive $0xFFFF  }
0x100: {  	p0 =	sne.s32 s0, $0x0;
	_ =	strace $0x90000047  }
0x101: {  	s0 =	sadd.s32 @!p0 $0x100000, s1;
	[bflag:$0x2] =	sbarrier.arrive $0xFFFF  }
0x102: {  	[sflag:s0] =	ssyncadd.tile.s32 @!p0 $0x1;
	_ =	shalt  }
.Lfunc_end2:
_tile_overlayer_lowered:
.L_overlay_start_2:
0x103: {  	(tag) =	ssettag $0x2  }
0x104: {  	s0 =	rddreg [dreg:$0x0];
	s2 =	stileid.u32  }
0x105: {  	s1 =	rddreg [dreg:$0x1];
	p0 =	sne.s32 s2, $0x0  }
0x106: {  	s3 =	rddreg [dreg:$0x2];
	[bflag:$0x3] =	sbarrier.arrive $0xFFFF;
	s2 =	simm.s32 @!p0 $0x1C01  }
0x107: {  	[timem:s3], [sflag:s2] =	dma.local @!p0 [hbm:s0], s1  }
0x108: {  	s0 =	simm.s32 @!p0 $0x1  }
0x109: {  	_ =	swait.ge @!p0 [sflag:s0], s1  }
0x10a: {  	s1 =	ssub.s32 @!p0 $0x0, s1;
	[sflag:s0] =	ssyncset.done @!p0 $0x0  }
0x10b: {  	[sflag:s0] =	ssyncadd.s32 @!p0 s1  }
0x10c: {  	[bflag:$0x3] =	sbarrier.arrive $0xFFFF  }
0x10d: {  	_ =	shalt  }

</sc_bundles>
